<compile_context>
chip_gen: v7x
topology: tpu7x:2x2x1
jax: 0.10.2.dev20260603
libtpu: 0.0.44.dev20260713+nightly
codegen_flags: <defaults>
</compile_context>

<pallas_src>
import jax
import jax.numpy as jnp
from jax import lax
from jax.experimental import pallas as pl
from jax.experimental.pallas import tpu as pltpu
from jax.experimental.pallas import tpu_sc as plsc

N = 10000
E = 320000
IN_CH = 128
HID = 32
NC, NS = 2, 16
NW = NC * NS
N_PAD = 10240
RPT = N_PAD // NS
CHUNK = 128
CPT = 80
EPT = CPT * CHUNK
E_PAD = NW * EPT
BR = 2000
BRP = 2048

_mesh = plsc.VectorSubcoreMesh(core_axis_name="c", subcore_axis_name="s")


def _deg_body(dst2d, degp, ones_v, didx2d, zrow, deg_sh, sem0, sem1, sem2,
              sem3):
    c = lax.axis_index("c")
    s = lax.axis_index("s")
    wid = c * NS + s
    sems = [sem0, sem1, sem2, sem3]
    one16 = jnp.full((16,), 1.0, jnp.float32)
    zero16 = jnp.zeros((16,), jnp.float32)
    for j in range(CHUNK // 16):
        ones_v[pl.ds(j * 16, 16)] = one16

    @pl.loop(0, RPT // 16, unroll=8)
    def _(i):
        zrow[pl.ds(i * 16, 16)] = zero16

    pltpu.sync_copy(dst2d.at[pl.ds(wid * CPT, CPT)], didx2d)
    pltpu.sync_copy(zrow, deg_sh.at[pl.ds(s * RPT, RPT)])
    plsc.subcore_barrier()

    @pl.loop(0, CPT // 4)
    def _(i):
        j = i * 4
        descs = [
            pltpu.async_copy(
                ones_v, deg_sh.at[didx2d.at[j + k]], sems[k], add=True)
            for k in range(4)
        ]
        for d in descs:
            d.wait()

    plsc.subcore_barrier()
    pltpu.sync_copy(deg_sh.at[pl.ds(s * RPT, RPT)], zrow)
    pltpu.sync_copy(zrow, degp.at[c, pl.ds(s * RPT, RPT)])


_deg_call = pl.kernel(
    _deg_body,
    out_type=jax.ShapeDtypeStruct((NC, N_PAD), jnp.float32),
    mesh=_mesh,
    scratch_types=[
        pltpu.VMEM((CHUNK,), jnp.float32),
        pltpu.VMEM((CPT, CHUNK), jnp.int32),
        pltpu.VMEM((RPT,), jnp.float32),
        pltpu.VMEM_SHARED((N_PAD,), jnp.float32),
        pltpu.SemaphoreType.DMA,
        pltpu.SemaphoreType.DMA,
        pltpu.SemaphoreType.DMA,
        pltpu.SemaphoreType.DMA,
    ],
    compiler_params=pltpu.CompilerParams(use_tc_tiling_on_sc=False),
)


def _prop_body(h, src2d, dst2d, accp, sidx2d, didx2d, r0, r1, r2, r3, fl,
               acc_sh, h_sh, g0, g1, g2, g3, s0, s1, s2, s3):
    c = lax.axis_index("c")
    s = lax.axis_index("s")
    wid = c * NS + s
    rows = [r0, r1, r2, r3]
    gsem = [g0, g1, g2, g3]
    ssem = [s0, s1, s2, s3]
    zero16 = jnp.zeros((16,), jnp.float32)

    @pl.loop(0, RPT, unroll=8)
    def _(i):
        fl[i, pl.ds(0, 16)] = zero16
        fl[i, pl.ds(16, 16)] = zero16

    pltpu.sync_copy(src2d.at[pl.ds(wid * CPT, CPT)], sidx2d)
    pltpu.sync_copy(dst2d.at[pl.ds(wid * CPT, CPT)], didx2d)
    pltpu.sync_copy(fl, acc_sh.at[pl.ds(s * RPT, RPT)])
    pltpu.sync_copy(h.at[pl.ds(s * RPT, RPT)], h_sh.at[pl.ds(s * RPT, RPT)])

    plsc.subcore_barrier()

    @pl.loop(0, CPT // 4)
    def _(i):
        j0 = i * 4
        gd = [
            pltpu.async_copy(h_sh.at[sidx2d.at[j0 + k]], rows[k], gsem[k])
            for k in range(4)
        ]
        sd = []
        for k in range(4):
            gd[k].wait()
            sd.append(
                pltpu.async_copy(rows[k], acc_sh.at[didx2d.at[j0 + k]],
                                 ssem[k], add=True))
        for d in sd:
            d.wait()

    plsc.subcore_barrier()
    pltpu.sync_copy(acc_sh.at[pl.ds(s * RPT, RPT)], fl)
    pltpu.sync_copy(fl, accp.at[c, pl.ds(s * RPT, RPT)])


_prop_call = pl.kernel(
    _prop_body,
    out_type=jax.ShapeDtypeStruct((NC, N_PAD, HID), jnp.float32),
    mesh=_mesh,
    scratch_types=[
        pltpu.VMEM((CPT, CHUNK), jnp.int32),
        pltpu.VMEM((CPT, CHUNK), jnp.int32),
        pltpu.VMEM((CHUNK, HID), jnp.float32),
        pltpu.VMEM((CHUNK, HID), jnp.float32),
        pltpu.VMEM((CHUNK, HID), jnp.float32),
        pltpu.VMEM((CHUNK, HID), jnp.float32),
        pltpu.VMEM((RPT, HID), jnp.float32),
        pltpu.VMEM_SHARED((N_PAD, HID), jnp.float32),
        pltpu.VMEM_SHARED((N_PAD, HID), jnp.float32),
        pltpu.SemaphoreType.DMA,
        pltpu.SemaphoreType.DMA,
        pltpu.SemaphoreType.DMA,
        pltpu.SemaphoreType.DMA,
        pltpu.SemaphoreType.DMA,
        pltpu.SemaphoreType.DMA,
        pltpu.SemaphoreType.DMA,
        pltpu.SemaphoreType.DMA,
    ],
    compiler_params=pltpu.CompilerParams(use_tc_tiling_on_sc=False),
)


def _lin1_body(x_ref, w_ref, degp_ref, h_ref, r_ref):
    d = degp_ref[0] + degp_ref[1] + 1.0
    r = lax.rsqrt(d)
    r_ref[...] = r
    h = jnp.dot(x_ref[...], w_ref[...], preferred_element_type=jnp.float32)
    h_ref[...] = h * r


_lin1 = pl.pallas_call(
    _lin1_body,
    grid=(N_PAD // BRP,),
    in_specs=[
        pl.BlockSpec((BRP, IN_CH), lambda i: (i, 0)),
        pl.BlockSpec((IN_CH, HID), lambda i: (0, 0)),
        pl.BlockSpec((NC, BRP, 1), lambda i: (0, i, 0)),
    ],
    out_specs=[
        pl.BlockSpec((BRP, HID), lambda i: (i, 0)),
        pl.BlockSpec((BRP, 1), lambda i: (i, 0)),
    ],
    out_shape=[
        jax.ShapeDtypeStruct((N_PAD, HID), jnp.float32),
        jax.ShapeDtypeStruct((N_PAD, 1), jnp.float32),
    ],
)


def _mid_body(accp_ref, h_ref, r_ref, b_ref, w_ref, out_ref):
    r = r_ref[...]
    y = (accp_ref[0] + accp_ref[1] + h_ref[...]) * r + b_ref[...]
    u = 0.5 * y * (1.0 + lax.erf(y * 0.7071067811865476))
    out_ref[...] = jnp.dot(u, w_ref[...],
                           preferred_element_type=jnp.float32) * r


_mid = pl.pallas_call(
    _mid_body,
    grid=(N_PAD // BRP,),
    in_specs=[
        pl.BlockSpec((NC, BRP, HID), lambda i: (0, i, 0)),
        pl.BlockSpec((BRP, HID), lambda i: (i, 0)),
        pl.BlockSpec((BRP, 1), lambda i: (i, 0)),
        pl.BlockSpec((1, HID), lambda i: (0, 0)),
        pl.BlockSpec((HID, HID), lambda i: (0, 0)),
    ],
    out_specs=pl.BlockSpec((BRP, HID), lambda i: (i, 0)),
    out_shape=jax.ShapeDtypeStruct((N_PAD, HID), jnp.float32),
)


def _fin_body(accp_ref, h_ref, r_ref, b_ref, out_ref):
    r = r_ref[...]
    out_ref[...] = (accp_ref[0] + accp_ref[1] + h_ref[...]) * r + b_ref[...]


_fin = pl.pallas_call(
    _fin_body,
    grid=(N // BR,),
    in_specs=[
        pl.BlockSpec((NC, BR, HID), lambda i: (0, i, 0)),
        pl.BlockSpec((BR, HID), lambda i: (i, 0)),
        pl.BlockSpec((BR, 1), lambda i: (i, 0)),
        pl.BlockSpec((1, HID), lambda i: (0, 0)),
    ],
    out_specs=pl.BlockSpec((BR, HID), lambda i: (i, 0)),
    out_shape=jax.ShapeDtypeStruct((N, HID), jnp.float32),
)


@jax.jit
def kernel(x, edge_index, W1, b1, W2, b2):
    ei = edge_index.astype(jnp.int32)
    pad = E_PAD - E
    src_p = jnp.concatenate([ei[0], jnp.zeros((pad,), jnp.int32)])
    junk = N + jnp.arange(pad, dtype=jnp.int32) % (N_PAD - N)
    dst_p = jnp.concatenate([ei[1], junk])
    src2d = src_p.reshape(E_PAD // CHUNK, CHUNK)
    dst2d = dst_p.reshape(E_PAD // CHUNK, CHUNK)
    degp = _deg_call(dst2d)
    degp3 = degp.reshape(NC, N_PAD, 1)
    h1, r_col = _lin1(x, W1, degp3)
    acc1 = _prop_call(h1, src2d, dst2d)
    h2 = _mid(acc1, h1, r_col, b1.reshape(1, HID), W2)
    acc2 = _prop_call(h2, src2d, dst2d)
    out = _fin(acc2, h2, r_col, b2.reshape(1, HID))
    return out

# --- scband reference (transcript-rebuilt; emitter-appended) ---
"""Pipeline reference for scband-gcnlayer-31928786879187 (READ-ONLY COPY).

The authoritative reference and input builder live on the scoring server;
editing this copy changes nothing except your own understanding.
"""

import jax, jax.numpy as jnp
import numpy as np

N_NODES = 10000
N_EDGES = 320000
IN_CH = 128
HID_CH = 32


def gcn_conv(x, edge_index, W, b):
    N = x.shape[0]
    src = edge_index[0]
    dst = edge_index[1]
    # add self-loops (PyG GCNConv default add_self_loops=True)
    loop = jnp.arange(N, dtype=edge_index.dtype)
    src = jnp.concatenate([src, loop])
    dst = jnp.concatenate([dst, loop])
    # symmetric normalization D^{-1/2} (A+I) D^{-1/2}
    deg = jnp.zeros((N,), dtype=x.dtype).at[dst].add(1.0)
    deg_inv_sqrt = jnp.where(deg > 0, 1.0 / jnp.sqrt(deg), 0.0)
    norm = deg_inv_sqrt[src] * deg_inv_sqrt[dst]
    # linear transform first (PyG order), then propagate
    h = x @ W
    msg = h[src] * norm[:, None]
    out = jnp.zeros((N, W.shape[1]), dtype=x.dtype).at[dst].add(msg)
    return out + b


def setup_inputs(seed: int = 0) -> dict:
    key = jax.random.key(seed)
    k1, k2, k3, k4 = jax.random.split(key, 4)
    x = jax.random.normal(k1, (N_NODES, IN_CH), dtype=jnp.float32)
    edge_index = jax.random.randint(k2, (2, N_EDGES), 0, N_NODES, dtype=jnp.int64)
    # learned parameters (glorot-style scaling)
    W1 = jax.random.normal(k3, (IN_CH, HID_CH), dtype=jnp.float32) * (1.0 / np.sqrt(IN_CH))
    b1 = jnp.zeros((HID_CH,), dtype=jnp.float32)
    W2 = jax.random.normal(k4, (HID_CH, HID_CH), dtype=jnp.float32) * (1.0 / np.sqrt(HID_CH))
    b2 = jnp.zeros((HID_CH,), dtype=jnp.float32)
    return {"x": x, "edge_index": edge_index, "W1": W1, "b1": b1, "W2": W2, "b2": b2}


def reference(x, edge_index, W1, b1, W2, b2):
    h = gcn_conv(x, edge_index, W1, b1)
    h = jax.nn.gelu(h, approximate=False)
    out = gcn_conv(h, edge_index, W2, b2)
    return out

if __name__ == "__main__":
    import jax
    _d = setup_inputs()
    print(jax.jit(kernel)(*tuple(_d.values())))

</pallas_src>

<mosaic_0001>
#map = affine_map<(d0, d1) -> (0, 0)>
#map1 = affine_map<(d0, d1) -> (0, 0, 0)>
module attributes {stable_mosaic.version = 14 : i64} {
  func.func @_prop_body(%arg0: i32, %arg1: i32, %arg2: memref<10240x32xf32, #tpu.memory_space<hbm>>, %arg3: memref<2560x128xi32, #tpu.memory_space<hbm>>, %arg4: memref<2560x128xi32, #tpu.memory_space<hbm>>, %arg5: memref<2x10240x32xf32, #tpu.memory_space<hbm>>, %arg6: memref<80x128xi32, #tpu.memory_space<vmem>>, %arg7: memref<80x128xi32, #tpu.memory_space<vmem>>, %arg8: memref<128x32xf32, #tpu.memory_space<vmem>>, %arg9: memref<128x32xf32, #tpu.memory_space<vmem>>, %arg10: memref<128x32xf32, #tpu.memory_space<vmem>>, %arg11: memref<128x32xf32, #tpu.memory_space<vmem>>, %arg12: memref<640x32xf32, #tpu.memory_space<vmem>>, %arg13: memref<10240x32xf32, #tpu.memory_space<vmem_shared>>, %arg14: memref<10240x32xf32, #tpu.memory_space<vmem_shared>>, %arg15: memref<!tpu.dma_semaphore, #tpu.memory_space<semaphore_mem>>, %arg16: memref<!tpu.dma_semaphore, #tpu.memory_space<semaphore_mem>>, %arg17: memref<!tpu.dma_semaphore, #tpu.memory_space<semaphore_mem>>, %arg18: memref<!tpu.dma_semaphore, #tpu.memory_space<semaphore_mem>>, %arg19: memref<!tpu.dma_semaphore, #tpu.memory_space<semaphore_mem>>, %arg20: memref<!tpu.dma_semaphore, #tpu.memory_space<semaphore_mem>>, %arg21: memref<!tpu.dma_semaphore, #tpu.memory_space<semaphore_mem>>, %arg22: memref<!tpu.dma_semaphore, #tpu.memory_space<semaphore_mem>>) attributes {dimension_semantics = [#tpu.dimension_semantics<core_parallel>, #tpu.dimension_semantics<subcore_parallel>], iteration_bounds = array<i64: 2, 16>, scalar_prefetch = 0 : i64, scratch_operands = 17 : i64, tpu.core_type = #tpu.core_type<sc_vector_subcore>, window_params = [{transform_indices = #map}, {transform_indices = #map}, {transform_indices = #map}, {transform_indices = #map1}]} {
    %mul3A = arith.constant 16 : i32
    %mul3A_0 = arith.muli %arg0, %mul3A : i32
    %add3A = arith.addi %mul3A_0, %arg1 : i32
    %broadcast_in_dim3A = arith.constant 0.000000e+00 : f32
    %broadcast_in_dim3A_1 = vector.broadcast %broadcast_in_dim3A : f32 to vector<16xf32>
    %scan3A = arith.constant 0 : i32
    %scan3A_2 = arith.constant 640 : i32
    %scan3A_3 = arith.addi %scan3A, %scan3A_2 : i32
    %scan3A_4 = arith.constant 8 : i32
    scf.for %scan3A_26 = %scan3A to %scan3A_3 step %scan3A_4  : i32 {
      %mul3A_27 = arith.constant 1 : i32
      %mul3A_28 = arith.muli %scan3A_26, %mul3A_27 : i32
      %add3A_29 = arith.constant 0 : i32
      %add3A_30 = arith.addi %add3A_29, %mul3A_28 : i32
      %swap3A = arith.index_cast %add3A_30 : i32 to index
      %swap3A_31 = arith.constant 0 : index
      %swap3A_32 = tpu.vector_load %arg12[%swap3A, %swap3A_31] {strides = array<i32>} : memref<640x32xf32, #tpu.memory_space<vmem>>, vector<1x16xf32>,
      %swap3A_33 = vector.shape_cast %swap3A_32 : vector<1x16xf32> to vector<16xf32>
      %swap3A_34 = vector.shape_cast %broadcast_in_dim3A_1 : vector<16xf32> to vector<1x16xf32>
      tpu.vector_store %arg12[%swap3A, %swap3A_31], %swap3A_34 {strides = array<i32>} : memref<640x32xf32, #tpu.memory_space<vmem>>, vector<1x16xf32>,
      %swap3A_35 = arith.index_cast %add3A_30 : i32 to index
      %swap3A_36 = arith.constant 16 : index
      %swap3A_37 = tpu.vector_load %arg12[%swap3A_35, %swap3A_36] {strides = array<i32>} : memref<640x32xf32, #tpu.memory_space<vmem>>, vector<1x16xf32>,
      %swap3A_38 = vector.shape_cast %swap3A_37 : vector<1x16xf32> to vector<16xf32>
      %swap3A_39 = vector.shape_cast %broadcast_in_dim3A_1 : vector<16xf32> to vector<1x16xf32>
      tpu.vector_store %arg12[%swap3A_35, %swap3A_36], %swap3A_39 {strides = array<i32>} : memref<640x32xf32, #tpu.memory_space<vmem>>, vector<1x16xf32>,
      %scan3A_40 = arith.constant 1 : i32
      %scan3A_41 = arith.addi %scan3A_26, %scan3A_40 : i32
      %mul3A_42 = arith.constant 1 : i32
      %mul3A_43 = arith.muli %scan3A_41, %mul3A_42 : i32
      %add3A_44 = arith.constant 0 : i32
      %add3A_45 = arith.addi %add3A_44, %mul3A_43 : i32
      %swap3A_46 = arith.index_cast %add3A_45 : i32 to index
      %swap3A_47 = arith.constant 0 : index
      %swap3A_48 = tpu.vector_load %arg12[%swap3A_46, %swap3A_47] {strides = array<i32>} : memref<640x32xf32, #tpu.memory_space<vmem>>, vector<1x16xf32>,
      %swap3A_49 = vector.shape_cast %swap3A_48 : vector<1x16xf32> to vector<16xf32>
      %swap3A_50 = vector.shape_cast %broadcast_in_dim3A_1 : vector<16xf32> to vector<1x16xf32>
      tpu.vector_store %arg12[%swap3A_46, %swap3A_47], %swap3A_50 {strides = array<i32>} : memref<640x32xf32, #tpu.memory_space<vmem>>, vector<1x16xf32>,
      %swap3A_51 = arith.index_cast %add3A_45 : i32 to index
      %swap3A_52 = arith.constant 16 : index
      %swap3A_53 = tpu.vector_load %arg12[%swap3A_51, %swap3A_52] {strides = array<i32>} : memref<640x32xf32, #tpu.memory_space<vmem>>, vector<1x16xf32>,
      %swap3A_54 = vector.shape_cast %swap3A_53 : vector<1x16xf32> to vector<16xf32>
      %swap3A_55 = vector.shape_cast %broadcast_in_dim3A_1 : vector<16xf32> to vector<1x16xf32>
      tpu.vector_store %arg12[%swap3A_51, %swap3A_52], %swap3A_55 {strides = array<i32>} : memref<640x32xf32, #tpu.memory_space<vmem>>, vector<1x16xf32>,
      %scan3A_56 = arith.constant 2 : i32
      %scan3A_57 = arith.addi %scan3A_26, %scan3A_56 : i32
      %mul3A_58 = arith.constant 1 : i32
      %mul3A_59 = arith.muli %scan3A_57, %mul3A_58 : i32
      %add3A_60 = arith.constant 0 : i32
      %add3A_61 = arith.addi %add3A_60, %mul3A_59 : i32
      %swap3A_62 = arith.index_cast %add3A_61 : i32 to index
      %swap3A_63 = arith.constant 0 : index
      %swap3A_64 = tpu.vector_load %arg12[%swap3A_62, %swap3A_63] {strides = array<i32>} : memref<640x32xf32, #tpu.memory_space<vmem>>, vector<1x16xf32>,
      %swap3A_65 = vector.shape_cast %swap3A_64 : vector<1x16xf32> to vector<16xf32>
      %swap3A_66 = vector.shape_cast %broadcast_in_dim3A_1 : vector<16xf32> to vector<1x16xf32>
      tpu.vector_store %arg12[%swap3A_62, %swap3A_63], %swap3A_66 {strides = array<i32>} : memref<640x32xf32, #tpu.memory_space<vmem>>, vector<1x16xf32>,
      %swap3A_67 = arith.index_cast %add3A_61 : i32 to index
      %swap3A_68 = arith.constant 16 : index
      %swap3A_69 = tpu.vector_load %arg12[%swap3A_67, %swap3A_68] {strides = array<i32>} : memref<640x32xf32, #tpu.memory_space<vmem>>, vector<1x16xf32>,
      %swap3A_70 = vector.shape_cast %swap3A_69 : vector<1x16xf32> to vector<16xf32>
      %swap3A_71 = vector.shape_cast %broadcast_in_dim3A_1 : vector<16xf32> to vector<1x16xf32>
      tpu.vector_store %arg12[%swap3A_67, %swap3A_68], %swap3A_71 {strides = array<i32>} : memref<640x32xf32, #tpu.memory_space<vmem>>, vector<1x16xf32>,
      %scan3A_72 = arith.constant 3 : i32
      %scan3A_73 = arith.addi %scan3A_26, %scan3A_72 : i32
      %mul3A_74 = arith.constant 1 : i32
      %mul3A_75 = arith.muli %scan3A_73, %mul3A_74 : i32
      %add3A_76 = arith.constant 0 : i32
      %add3A_77 = arith.addi %add3A_76, %mul3A_75 : i32
      %swap3A_78 = arith.index_cast %add3A_77 : i32 to index
      %swap3A_79 = arith.constant 0 : index
      %swap3A_80 = tpu.vector_load %arg12[%swap3A_78, %swap3A_79] {strides = array<i32>} : memref<640x32xf32, #tpu.memory_space<vmem>>, vector<1x16xf32>,
      %swap3A_81 = vector.shape_cast %swap3A_80 : vector<1x16xf32> to vector<16xf32>
      %swap3A_82 = vector.shape_cast %broadcast_in_dim3A_1 : vector<16xf32> to vector<1x16xf32>
      tpu.vector_store %arg12[%swap3A_78, %swap3A_79], %swap3A_82 {strides = array<i32>} : memref<640x32xf32, #tpu.memory_space<vmem>>, vector<1x16xf32>,
      %swap3A_83 = arith.index_cast %add3A_77 : i32 to index
      %swap3A_84 = arith.constant 16 : index
      %swap3A_85 = tpu.vector_load %arg12[%swap3A_83, %swap3A_84] {strides = array<i32>} : memref<640x32xf32, #tpu.memory_space<vmem>>, vector<1x16xf32>,
      %swap3A_86 = vector.shape_cast %swap3A_85 : vector<1x16xf32> to vector<16xf32>
      %swap3A_87 = vector.shape_cast %broadcast_in_dim3A_1 : vector<16xf32> to vector<1x16xf32>
      tpu.vector_store %arg12[%swap3A_83, %swap3A_84], %swap3A_87 {strides = array<i32>} : memref<640x32xf32, #tpu.memory_space<vmem>>, vector<1x16xf32>,
      %scan3A_88 = arith.constant 4 : i32
      %scan3A_89 = arith.addi %scan3A_26, %scan3A_88 : i32
      %mul3A_90 = arith.constant 1 : i32
      %mul3A_91 = arith.muli %scan3A_89, %mul3A_90 : i32
      %add3A_92 = arith.constant 0 : i32
      %add3A_93 = arith.addi %add3A_92, %mul3A_91 : i32
      %swap3A_94 = arith.index_cast %add3A_93 : i32 to index
      %swap3A_95 = arith.constant 0 : index
      %swap3A_96 = tpu.vector_load %arg12[%swap3A_94, %swap3A_95] {strides = array<i32>} : memref<640x32xf32, #tpu.memory_space<vmem>>, vector<1x16xf32>,
      %swap3A_97 = vector.shape_cast %swap3A_96 : vector<1x16xf32> to vector<16xf32>
      %swap3A_98 = vector.shape_cast %broadcast_in_dim3A_1 : vector<16xf32> to vector<1x16xf32>
      tpu.vector_store %arg12[%swap3A_94, %swap3A_95], %swap3A_98 {strides = array<i32>} : memref<640x32xf32, #tpu.memory_space<vmem>>, vector<1x16xf32>,
      %swap3A_99 = arith.index_cast %add3A_93 : i32 to index
      %swap3A_100 = arith.constant 16 : index
      %swap3A_101 = tpu.vector_load %arg12[%swap3A_99, %swap3A_100] {strides = array<i32>} : memref<640x32xf32, #tpu.memory_space<vmem>>, vector<1x16xf32>,
      %swap3A_102 = vector.shape_cast %swap3A_101 : vector<1x16xf32> to vector<16xf32>
      %swap3A_103 = vector.shape_cast %broadcast_in_dim3A_1 : vector<16xf32> to vector<1x16xf32>
      tpu.vector_store %arg12[%swap3A_99, %swap3A_100], %swap3A_103 {strides = array<i32>} : memref<640x32xf32, #tpu.memory_space<vmem>>, vector<1x16xf32>,
      %scan3A_104 = arith.constant 5 : i32
      %scan3A_105 = arith.addi %scan3A_26, %scan3A_104 : i32
      %mul3A_106 = arith.constant 1 : i32
      %mul3A_107 = arith.muli %scan3A_105, %mul3A_106 : i32
      %add3A_108 = arith.constant 0 : i32
      %add3A_109 = arith.addi %add3A_108, %mul3A_107 : i32
      %swap3A_110 = arith.index_cast %add3A_109 : i32 to index
      %swap3A_111 = arith.constant 0 : index
      %swap3A_112 = tpu.vector_load %arg12[%swap3A_110, %swap3A_111] {strides = array<i32>} : memref<640x32xf32, #tpu.memory_space<vmem>>, vector<1x16xf32>,
      %swap3A_113 = vector.shape_cast %swap3A_112 : vector<1x16xf32> to vector<16xf32>
      %swap3A_114 = vector.shape_cast %broadcast_in_dim3A_1 : vector<16xf32> to vector<1x16xf32>
      tpu.vector_store %arg12[%swap3A_110, %swap3A_111], %swap3A_114 {strides = array<i32>} : memref<640x32xf32, #tpu.memory_space<vmem>>, vector<1x16xf32>,
      %swap3A_115 = arith.index_cast %add3A_109 : i32 to index
      %swap3A_116 = arith.constant 16 : index
      %swap3A_117 = tpu.vector_load %arg12[%swap3A_115, %swap3A_116] {strides = array<i32>} : memref<640x32xf32, #tpu.memory_space<vmem>>, vector<1x16xf32>,
      %swap3A_118 = vector.shape_cast %swap3A_117 : vector<1x16xf32> to vector<16xf32>
      %swap3A_119 = vector.shape_cast %broadcast_in_dim3A_1 : vector<16xf32> to vector<1x16xf32>
      tpu.vector_store %arg12[%swap3A_115, %swap3A_116], %swap3A_119 {strides = array<i32>} : memref<640x32xf32, #tpu.memory_space<vmem>>, vector<1x16xf32>,
      %scan3A_120 = arith.constant 6 : i32
      %scan3A_121 = arith.addi %scan3A_26, %scan3A_120 : i32
      %mul3A_122 = arith.constant 1 : i32
      %mul3A_123 = arith.muli %scan3A_121, %mul3A_122 : i32
      %add3A_124 = arith.constant 0 : i32
      %add3A_125 = arith.addi %add3A_124, %mul3A_123 : i32
      %swap3A_126 = arith.index_cast %add3A_125 : i32 to index
      %swap3A_127 = arith.constant 0 : index
      %swap3A_128 = tpu.vector_load %arg12[%swap3A_126, %swap3A_127] {strides = array<i32>} : memref<640x32xf32, #tpu.memory_space<vmem>>, vector<1x16xf32>,
      %swap3A_129 = vector.shape_cast %swap3A_128 : vector<1x16xf32> to vector<16xf32>
      %swap3A_130 = vector.shape_cast %broadcast_in_dim3A_1 : vector<16xf32> to vector<1x16xf32>
      tpu.vector_store %arg12[%swap3A_126, %swap3A_127], %swap3A_130 {strides = array<i32>} : memref<640x32xf32, #tpu.memory_space<vmem>>, vector<1x16xf32>,
      %swap3A_131 = arith.index_cast %add3A_125 : i32 to index
      %swap3A_132 = arith.constant 16 : index
      %swap3A_133 = tpu.vector_load %arg12[%swap3A_131, %swap3A_132] {strides = array<i32>} : memref<640x32xf32, #tpu.memory_space<vmem>>, vector<1x16xf32>,
      %swap3A_134 = vector.shape_cast %swap3A_133 : vector<1x16xf32> to vector<16xf32>
      %swap3A_135 = vector.shape_cast %broadcast_in_dim3A_1 : vector<16xf32> to vector<1x16xf32>
      tpu.vector_store %arg12[%swap3A_131, %swap3A_132], %swap3A_135 {strides = array<i32>} : memref<640x32xf32, #tpu.memory_space<vmem>>, vector<1x16xf32>,
      %scan3A_136 = arith.constant 7 : i32
      %scan3A_137 = arith.addi %scan3A_26, %scan3A_136 : i32
      %mul3A_138 = arith.constant 1 : i32
      %mul3A_139 = arith.muli %scan3A_137, %mul3A_138 : i32
      %add3A_140 = arith.constant 0 : i32
      %add3A_141 = arith.addi %add3A_140, %mul3A_139 : i32
      %swap3A_142 = arith.index_cast %add3A_141 : i32 to index
      %swap3A_143 = arith.constant 0 : index
      %swap3A_144 = tpu.vector_load %arg12[%swap3A_142, %swap3A_143] {strides = array<i32>} : memref<640x32xf32, #tpu.memory_space<vmem>>, vector<1x16xf32>,
      %swap3A_145 = vector.shape_cast %swap3A_144 : vector<1x16xf32> to vector<16xf32>
      %swap3A_146 = vector.shape_cast %broadcast_in_dim3A_1 : vector<16xf32> to vector<1x16xf32>
      tpu.vector_store %arg12[%swap3A_142, %swap3A_143], %swap3A_146 {strides = array<i32>} : memref<640x32xf32, #tpu.memory_space<vmem>>, vector<1x16xf32>,
      %swap3A_147 = arith.index_cast %add3A_141 : i32 to index
      %swap3A_148 = arith.constant 16 : index
      %swap3A_149 = tpu.vector_load %arg12[%swap3A_147, %swap3A_148] {strides = array<i32>} : memref<640x32xf32, #tpu.memory_space<vmem>>, vector<1x16xf32>,
      %swap3A_150 = vector.shape_cast %swap3A_149 : vector<1x16xf32> to vector<16xf32>
      %swap3A_151 = vector.shape_cast %broadcast_in_dim3A_1 : vector<16xf32> to vector<1x16xf32>
      tpu.vector_store %arg12[%swap3A_147, %swap3A_148], %swap3A_151 {strides = array<i32>} : memref<640x32xf32, #tpu.memory_space<vmem>>, vector<1x16xf32>,
    }
    %scan3A_5 = arith.constant 640 : i32
    %mul3A_6 = arith.constant 80 : i32
    %mul3A_7 = arith.muli %add3A, %mul3A_6 : i32
    "tpu.region"() ({
      %run_scoped3A = tpu.sem_alloc : memref<!tpu.dma_semaphore, #tpu.memory_space<semaphore_mem>>
      %dma_start3A = arith.constant 0 : i32
      %dma_start3A_26 = tpu.memref_slice %arg3[%mul3A_7, %dma_start3A] : memref<2560x128xi32, #tpu.memory_space<hbm>> -> memref<80x128xi32, #tpu.memory_space<hbm>>
      %dma_start3A_27 = arith.constant 0 : i32
      %dma_start3A_28 = tpu.memref_slice %arg3[%mul3A_7, %dma_start3A_27] : memref<2560x128xi32, #tpu.memory_space<hbm>> -> memref<80x128xi32, #tpu.memory_space<hbm>>
      tpu.enqueue_dma source(%dma_start3A_28 : memref<80x128xi32, #tpu.memory_space<hbm>>) target(%arg6 : memref<80x128xi32, #tpu.memory_space<vmem>>) target_semaphore(%run_scoped3A : memref<!tpu.dma_semaphore, #tpu.memory_space<semaphore_mem>>)
      %dma_wait3A = arith.constant 0 : i32
      %dma_wait3A_29 = tpu.memref_slice %arg3[%mul3A_7, %dma_wait3A] : memref<2560x128xi32, #tpu.memory_space<hbm>> -> memref<80x128xi32, #tpu.memory_space<hbm>>
      %dma_wait3A_30 = arith.constant 0 : i32
      %dma_wait3A_31 = tpu.memref_slice %arg3[%mul3A_7, %dma_wait3A_30] : memref<2560x128xi32, #tpu.memory_space<hbm>> -> memref<80x128xi32, #tpu.memory_space<hbm>>
      tpu.wait_dma2 semaphore(%run_scoped3A : memref<!tpu.dma_semaphore, #tpu.memory_space<semaphore_mem>>) src(%dma_wait3A_31 : memref<80x128xi32, #tpu.memory_space<hbm>>) dst(%arg6 : memref<80x128xi32, #tpu.memory_space<vmem>>)
      tpu.yield
    }) : () -> ()
    %mul3A_8 = arith.constant 80 : i32
    %mul3A_9 = arith.muli %add3A, %mul3A_8 : i32
    "tpu.region"() ({
      %run_scoped3A = tpu.sem_alloc : memref<!tpu.dma_semaphore, #tpu.memory_space<semaphore_mem>>
      %dma_start3A = arith.constant 0 : i32
      %dma_start3A_26 = tpu.memref_slice %arg4[%mul3A_9, %dma_start3A] : memref<2560x128xi32, #tpu.memory_space<hbm>> -> memref<80x128xi32, #tpu.memory_space<hbm>>
      %dma_start3A_27 = arith.constant 0 : i32
      %dma_start3A_28 = tpu.memref_slice %arg4[%mul3A_9, %dma_start3A_27] : memref<2560x128xi32, #tpu.memory_space<hbm>> -> memref<80x128xi32, #tpu.memory_space<hbm>>
      tpu.enqueue_dma source(%dma_start3A_28 : memref<80x128xi32, #tpu.memory_space<hbm>>) target(%arg7 : memref<80x128xi32, #tpu.memory_space<vmem>>) target_semaphore(%run_scoped3A : memref<!tpu.dma_semaphore, #tpu.memory_space<semaphore_mem>>)
      %dma_wait3A = arith.constant 0 : i32
      %dma_wait3A_29 = tpu.memref_slice %arg4[%mul3A_9, %dma_wait3A] : memref<2560x128xi32, #tpu.memory_space<hbm>> -> memref<80x128xi32, #tpu.memory_space<hbm>>
      %dma_wait3A_30 = arith.constant 0 : i32
      %dma_wait3A_31 = tpu.memref_slice %arg4[%mul3A_9, %dma_wait3A_30] : memref<2560x128xi32, #tpu.memory_space<hbm>> -> memref<80x128xi32, #tpu.memory_space<hbm>>
      tpu.wait_dma2 semaphore(%run_scoped3A : memref<!tpu.dma_semaphore, #tpu.memory_space<semaphore_mem>>) src(%dma_wait3A_31 : memref<80x128xi32, #tpu.memory_space<hbm>>) dst(%arg7 : memref<80x128xi32, #tpu.memory_space<vmem>>)
      tpu.yield
    }) : () -> ()
    %mul3A_10 = arith.constant 640 : i32
    %mul3A_11 = arith.muli %arg1, %mul3A_10 : i32
    "tpu.region"() ({
      %run_scoped3A = tpu.sem_alloc : memref<!tpu.dma_semaphore, #tpu.memory_space<semaphore_mem>>
      %dma_start3A = arith.constant 0 : i32
      %dma_start3A_26 = tpu.memref_slice %arg13[%mul3A_11, %dma_start3A] : memref<10240x32xf32, #tpu.memory_space<vmem_shared>> -> memref<640x32xf32, #tpu.memory_space<vmem_shared>>
      %dma_start3A_27 = arith.constant 0 : i32
      %dma_start3A_28 = tpu.memref_slice %arg13[%mul3A_11, %dma_start3A_27] : memref<10240x32xf32, #tpu.memory_space<vmem_shared>> -> memref<640x32xf32, #tpu.memory_space<vmem_shared>>
      tpu.enqueue_dma source(%arg12 : memref<640x32xf32, #tpu.memory_space<vmem>>) target(%dma_start3A_28 : memref<640x32xf32, #tpu.memory_space<vmem_shared>>) target_semaphore(%run_scoped3A : memref<!tpu.dma_semaphore, #tpu.memory_space<semaphore_mem>>)
      %dma_wait3A = arith.constant 0 : i32
      %dma_wait3A_29 = tpu.memref_slice %arg13[%mul3A_11, %dma_wait3A] : memref<10240x32xf32, #tpu.memory_space<vmem_shared>> -> memref<640x32xf32, #tpu.memory_space<vmem_shared>>
      %dma_wait3A_30 = arith.constant 0 : i32
      %dma_wait3A_31 = tpu.memref_slice %arg13[%mul3A_11, %dma_wait3A_30] : memref<10240x32xf32, #tpu.memory_space<vmem_shared>> -> memref<640x32xf32, #tpu.memory_space<vmem_shared>>
      tpu.wait_dma2 semaphore(%run_scoped3A : memref<!tpu.dma_semaphore, #tpu.memory_space<semaphore_mem>>) src(%arg12 : memref<640x32xf32, #tpu.memory_space<vmem>>) dst(%dma_wait3A_31 : memref<640x32xf32, #tpu.memory_space<vmem_shared>>)
      tpu.yield
    }) : () -> ()
    %mul3A_12 = arith.constant 640 : i32
    %mul3A_13 = arith.muli %arg1, %mul3A_12 : i32
    %mul3A_14 = arith.constant 640 : i32
    %mul3A_15 = arith.muli %arg1, %mul3A_14 : i32
    "tpu.region"() ({
      %run_scoped3A = tpu.sem_alloc : memref<!tpu.dma_semaphore, #tpu.memory_space<semaphore_mem>>
      %dma_start3A = arith.constant 0 : i32
      %dma_start3A_26 = tpu.memref_slice %arg14[%mul3A_15, %dma_start3A] : memref<10240x32xf32, #tpu.memory_space<vmem_shared>> -> memref<640x32xf32, #tpu.memory_space<vmem_shared>>
      %dma_start3A_27 = arith.constant 0 : i32
      %dma_start3A_28 = tpu.memref_slice %arg2[%mul3A_13, %dma_start3A_27] : memref<10240x32xf32, #tpu.memory_space<hbm>> -> memref<640x32xf32, #tpu.memory_space<hbm>>
      tpu.enqueue_dma source(%dma_start3A_28 : memref<640x32xf32, #tpu.memory_space<hbm>>) target(%dma_start3A_26 : memref<640x32xf32, #tpu.memory_space<vmem_shared>>) target_semaphore(%run_scoped3A : memref<!tpu.dma_semaphore, #tpu.memory_space<semaphore_mem>>)
      %dma_wait3A = arith.constant 0 : i32
      %dma_wait3A_29 = tpu.memref_slice %arg14[%mul3A_15, %dma_wait3A] : memref<10240x32xf32, #tpu.memory_space<vmem_shared>> -> memref<640x32xf32, #tpu.memory_space<vmem_shared>>
      %dma_wait3A_30 = arith.constant 0 : i32
      %dma_wait3A_31 = tpu.memref_slice %arg2[%mul3A_13, %dma_wait3A_30] : memref<10240x32xf32, #tpu.memory_space<hbm>> -> memref<640x32xf32, #tpu.memory_space<hbm>>
      tpu.wait_dma2 semaphore(%run_scoped3A : memref<!tpu.dma_semaphore, #tpu.memory_space<semaphore_mem>>) src(%dma_wait3A_31 : memref<640x32xf32, #tpu.memory_space<hbm>>) dst(%dma_wait3A_29 : memref<640x32xf32, #tpu.memory_space<vmem_shared>>)
      tpu.yield
    }) : () -> ()
    %barrier3A = arith.constant 0 : index
    tpu.barrier barrier_id(%barrier3A)
    %scan3A_16 = arith.constant 0 : i32
    %scan3A_17 = arith.constant 20 : i32
    %scan3A_18 = arith.addi %scan3A_16, %scan3A_17 : i32
    %scan3A_19 = arith.constant 1 : i32
    scf.for %scan3A_26 = %scan3A_16 to %scan3A_18 step %scan3A_19  : i32 {
      %mul3A_27 = arith.constant 1 : i32
      %mul3A_28 = arith.muli %scan3A_26, %mul3A_27 : i32
      %add3A_29 = arith.constant 0 : i32
      %add3A_30 = arith.addi %add3A_29, %mul3A_28 : i32
      %mul3A_31 = arith.constant 4 : i32
      %mul3A_32 = arith.muli %add3A_30, %mul3A_31 : i32
      %add3A_33 = arith.constant 0 : i32
      %add3A_34 = arith.addi %mul3A_32, %add3A_33 : i32
      %dma_start3A = arith.constant 0 : i32
      %dma_start3A_35 = tpu.memref_slice %arg6[%add3A_34, %dma_start3A] : memref<80x128xi32, #tpu.memory_space<vmem>> -> memref<1x128xi32, #tpu.memory_space<vmem>>
      %dma_start3A_36 = tpu.memref_squeeze %dma_start3A_35 : memref<1x128xi32, #tpu.memory_space<vmem>> -> memref<128xi32, #tpu.memory_space<vmem>>
      %dma_start3A_37 = arith.constant 0 : i32
      %dma_start3A_38 = arith.constant 0 : i32
      %dma_start3A_39 = tpu.memref_slice %arg14[%dma_start3A_37, %dma_start3A_38] : memref<10240x32xf32, #tpu.memory_space<vmem_shared>> -> memref<10240x32xf32, #tpu.memory_space<vmem_shared>>
      tpu.enqueue_indirect_dma source(%dma_start3A_39 : memref<10240x32xf32, #tpu.memory_space<vmem_shared>>) target(%arg8 : memref<128x32xf32, #tpu.memory_space<vmem>>) offsets(%dma_start3A_36 : memref<128xi32, #tpu.memory_space<vmem>>) semaphore(%arg15 : memref<!tpu.dma_semaphore, #tpu.memory_space<semaphore_mem>>)
      %add3A_40 = arith.constant 1 : i32
      %add3A_41 = arith.addi %mul3A_32, %add3A_40 : i32
      %dma_start3A_42 = arith.constant 0 : i32
      %dma_start3A_43 = tpu.memref_slice %arg6[%add3A_41, %dma_start3A_42] : memref<80x128xi32, #tpu.memory_space<vmem>> -> memref<1x128xi32, #tpu.memory_space<vmem>>
      %dma_start3A_44 = tpu.memref_squeeze %dma_start3A_43 : memref<1x128xi32, #tpu.memory_space<vmem>> -> memref<128xi32, #tpu.memory_space<vmem>>
      %dma_start3A_45 = arith.constant 0 : i32
      %dma_start3A_46 = arith.constant 0 : i32
      %dma_start3A_47 = tpu.memref_slice %arg14[%dma_start3A_45, %dma_start3A_46] : memref<10240x32xf32, #tpu.memory_space<vmem_shared>> -> memref<10240x32xf32, #tpu.memory_space<vmem_shared>>
      tpu.enqueue_indirect_dma source(%dma_start3A_47 : memref<10240x32xf32, #tpu.memory_space<vmem_shared>>) target(%arg9 : memref<128x32xf32, #tpu.memory_space<vmem>>) offsets(%dma_start3A_44 : memref<128xi32, #tpu.memory_space<vmem>>) semaphore(%arg16 : memref<!tpu.dma_semaphore, #tpu.memory_space<semaphore_mem>>)
      %add3A_48 = arith.constant 2 : i32
      %add3A_49 = arith.addi %mul3A_32, %add3A_48 : i32
      %dma_start3A_50 = arith.constant 0 : i32
      %dma_start3A_51 = tpu.memref_slice %arg6[%add3A_49, %dma_start3A_50] : memref<80x128xi32, #tpu.memory_space<vmem>> -> memref<1x128xi32, #tpu.memory_space<vmem>>
      %dma_start3A_52 = tpu.memref_squeeze %dma_start3A_51 : memref<1x128xi32, #tpu.memory_space<vmem>> -> memref<128xi32, #tpu.memory_space<vmem>>
      %dma_start3A_53 = arith.constant 0 : i32
      %dma_start3A_54 = arith.constant 0 : i32
      %dma_start3A_55 = tpu.memref_slice %arg14[%dma_start3A_53, %dma_start3A_54] : memref<10240x32xf32, #tpu.memory_space<vmem_shared>> -> memref<10240x32xf32, #tpu.memory_space<vmem_shared>>
      tpu.enqueue_indirect_dma source(%dma_start3A_55 : memref<10240x32xf32, #tpu.memory_space<vmem_shared>>) target(%arg10 : memref<128x32xf32, #tpu.memory_space<vmem>>) offsets(%dma_start3A_52 : memref<128xi32, #tpu.memory_space<vmem>>) semaphore(%arg17 : memref<!tpu.dma_semaphore, #tpu.memory_space<semaphore_mem>>)
      %add3A_56 = arith.constant 3 : i32
      %add3A_57 = arith.addi %mul3A_32, %add3A_56 : i32
      %dma_start3A_58 = arith.constant 0 : i32
      %dma_start3A_59 = tpu.memref_slice %arg6[%add3A_57, %dma_start3A_58] : memref<80x128xi32, #tpu.memory_space<vmem>> -> memref<1x128xi32, #tpu.memory_space<vmem>>
      %dma_start3A_60 = tpu.memref_squeeze %dma_start3A_59 : memref<1x128xi32, #tpu.memory_space<vmem>> -> memref<128xi32, #tpu.memory_space<vmem>>
      %dma_start3A_61 = arith.constant 0 : i32
      %dma_start3A_62 = arith.constant 0 : i32
      %dma_start3A_63 = tpu.memref_slice %arg14[%dma_start3A_61, %dma_start3A_62] : memref<10240x32xf32, #tpu.memory_space<vmem_shared>> -> memref<10240x32xf32, #tpu.memory_space<vmem_shared>>
      tpu.enqueue_indirect_dma source(%dma_start3A_63 : memref<10240x32xf32, #tpu.memory_space<vmem_shared>>) target(%arg11 : memref<128x32xf32, #tpu.memory_space<vmem>>) offsets(%dma_start3A_60 : memref<128xi32, #tpu.memory_space<vmem>>) semaphore(%arg18 : memref<!tpu.dma_semaphore, #tpu.memory_space<semaphore_mem>>)
      %dma_wait3A = arith.constant 0 : i32
      %dma_wait3A_64 = tpu.memref_slice %arg6[%add3A_34, %dma_wait3A] : memref<80x128xi32, #tpu.memory_space<vmem>> -> memref<1x128xi32, #tpu.memory_space<vmem>>
      %dma_wait3A_65 = tpu.memref_squeeze %dma_wait3A_64 : memref<1x128xi32, #tpu.memory_space<vmem>> -> memref<128xi32, #tpu.memory_space<vmem>>
      %dma_wait3A_66 = arith.constant 0 : i32
      %dma_wait3A_67 = arith.constant 0 : i32
      %dma_wait3A_68 = tpu.memref_slice %arg14[%dma_wait3A_66, %dma_wait3A_67] : memref<10240x32xf32, #tpu.memory_space<vmem_shared>> -> memref<10240x32xf32, #tpu.memory_space<vmem_shared>>
      tpu.wait_indirect_dma semaphore(%arg15 : memref<!tpu.dma_semaphore, #tpu.memory_space<semaphore_mem>>) src(%dma_wait3A_68 : memref<10240x32xf32, #tpu.memory_space<vmem_shared>>) dst(%arg8 : memref<128x32xf32, #tpu.memory_space<vmem>>)
      %add3A_69 = arith.constant 0 : i32
      %add3A_70 = arith.addi %mul3A_32, %add3A_69 : i32
      %dma_start3A_71 = arith.constant 0 : i32
      %dma_start3A_72 = tpu.memref_slice %arg7[%add3A_70, %dma_start3A_71] : memref<80x128xi32, #tpu.memory_space<vmem>> -> memref<1x128xi32, #tpu.memory_space<vmem>>
      %dma_start3A_73 = tpu.memref_squeeze %dma_start3A_72 : memref<1x128xi32, #tpu.memory_space<vmem>> -> memref<128xi32, #tpu.memory_space<vmem>>
      %dma_start3A_74 = arith.constant 0 : i32
      %dma_start3A_75 = arith.constant 0 : i32
      %dma_start3A_76 = tpu.memref_slice %arg13[%dma_start3A_74, %dma_start3A_75] : memref<10240x32xf32, #tpu.memory_space<vmem_shared>> -> memref<10240x32xf32, #tpu.memory_space<vmem_shared>>
      tpu.enqueue_indirect_dma source(%arg8 : memref<128x32xf32, #tpu.memory_space<vmem>>) target(%dma_start3A_76 : memref<10240x32xf32, #tpu.memory_space<vmem_shared>>) offsets(%dma_start3A_73 : memref<128xi32, #tpu.memory_space<vmem>>) semaphore(%arg19 : memref<!tpu.dma_semaphore, #tpu.memory_space<semaphore_mem>>) {add = true}
      %dma_wait3A_77 = arith.constant 0 : i32
      %dma_wait3A_78 = tpu.memref_slice %arg6[%add3A_41, %dma_wait3A_77] : memref<80x128xi32, #tpu.memory_space<vmem>> -> memref<1x128xi32, #tpu.memory_space<vmem>>
      %dma_wait3A_79 = tpu.memref_squeeze %dma_wait3A_78 : memref<1x128xi32, #tpu.memory_space<vmem>> -> memref<128xi32, #tpu.memory_space<vmem>>
      %dma_wait3A_80 = arith.constant 0 : i32
      %dma_wait3A_81 = arith.constant 0 : i32
      %dma_wait3A_82 = tpu.memref_slice %arg14[%dma_wait3A_80, %dma_wait3A_81] : memref<10240x32xf32, #tpu.memory_space<vmem_shared>> -> memref<10240x32xf32, #tpu.memory_space<vmem_shared>>
      tpu.wait_indirect_dma semaphore(%arg16 : memref<!tpu.dma_semaphore, #tpu.memory_space<semaphore_mem>>) src(%dma_wait3A_82 : memref<10240x32xf32, #tpu.memory_space<vmem_shared>>) dst(%arg9 : memref<128x32xf32, #tpu.memory_space<vmem>>)
      %add3A_83 = arith.constant 1 : i32
      %add3A_84 = arith.addi %mul3A_32, %add3A_83 : i32
      %dma_start3A_85 = arith.constant 0 : i32
      %dma_start3A_86 = tpu.memref_slice %arg7[%add3A_84, %dma_start3A_85] : memref<80x128xi32, #tpu.memory_space<vmem>> -> memref<1x128xi32, #tpu.memory_space<vmem>>
      %dma_start3A_87 = tpu.memref_squeeze %dma_start3A_86 : memref<1x128xi32, #tpu.memory_space<vmem>> -> memref<128xi32, #tpu.memory_space<vmem>>
      %dma_start3A_88 = arith.constant 0 : i32
      %dma_start3A_89 = arith.constant 0 : i32
      %dma_start3A_90 = tpu.memref_slice %arg13[%dma_start3A_88, %dma_start3A_89] : memref<10240x32xf32, #tpu.memory_space<vmem_shared>> -> memref<10240x32xf32, #tpu.memory_space<vmem_shared>>
      tpu.enqueue_indirect_dma source(%arg9 : memref<128x32xf32, #tpu.memory_space<vmem>>) target(%dma_start3A_90 : memref<10240x32xf32, #tpu.memory_space<vmem_shared>>) offsets(%dma_start3A_87 : memref<128xi32, #tpu.memory_space<vmem>>) semaphore(%arg20 : memref<!tpu.dma_semaphore, #tpu.memory_space<semaphore_mem>>) {add = true}
      %dma_wait3A_91 = arith.constant 0 : i32
      %dma_wait3A_92 = tpu.memref_slice %arg6[%add3A_49, %dma_wait3A_91] : memref<80x128xi32, #tpu.memory_space<vmem>> -> memref<1x128xi32, #tpu.memory_space<vmem>>
      %dma_wait3A_93 = tpu.memref_squeeze %dma_wait3A_92 : memref<1x128xi32, #tpu.memory_space<vmem>> -> memref<128xi32, #tpu.memory_space<vmem>>
      %dma_wait3A_94 = arith.constant 0 : i32
      %dma_wait3A_95 = arith.constant 0 : i32
      %dma_wait3A_96 = tpu.memref_slice %arg14[%dma_wait3A_94, %dma_wait3A_95] : memref<10240x32xf32, #tpu.memory_space<vmem_shared>> -> memref<10240x32xf32, #tpu.memory_space<vmem_shared>>
      tpu.wait_indirect_dma semaphore(%arg17 : memref<!tpu.dma_semaphore, #tpu.memory_space<semaphore_mem>>) src(%dma_wait3A_96 : memref<10240x32xf32, #tpu.memory_space<vmem_shared>>) dst(%arg10 : memref<128x32xf32, #tpu.memory_space<vmem>>)
      %add3A_97 = arith.constant 2 : i32
      %add3A_98 = arith.addi %mul3A_32, %add3A_97 : i32
      %dma_start3A_99 = arith.constant 0 : i32
      %dma_start3A_100 = tpu.memref_slice %arg7[%add3A_98, %dma_start3A_99] : memref<80x128xi32, #tpu.memory_space<vmem>> -> memref<1x128xi32, #tpu.memory_space<vmem>>
      %dma_start3A_101 = tpu.memref_squeeze %dma_start3A_100 : memref<1x128xi32, #tpu.memory_space<vmem>> -> memref<128xi32, #tpu.memory_space<vmem>>
      %dma_start3A_102 = arith.constant 0 : i32
      %dma_start3A_103 = arith.constant 0 : i32
      %dma_start3A_104 = tpu.memref_slice %arg13[%dma_start3A_102, %dma_start3A_103] : memref<10240x32xf32, #tpu.memory_space<vmem_shared>> -> memref<10240x32xf32, #tpu.memory_space<vmem_shared>>
      tpu.enqueue_indirect_dma source(%arg10 : memref<128x32xf32, #tpu.memory_space<vmem>>) target(%dma_start3A_104 : memref<10240x32xf32, #tpu.memory_space<vmem_shared>>) offsets(%dma_start3A_101 : memref<128xi32, #tpu.memory_space<vmem>>) semaphore(%arg21 : memref<!tpu.dma_semaphore, #tpu.memory_space<semaphore_mem>>) {add = true}
      %dma_wait3A_105 = arith.constant 0 : i32
      %dma_wait3A_106 = tpu.memref_slice %arg6[%add3A_57, %dma_wait3A_105] : memref<80x128xi32, #tpu.memory_space<vmem>> -> memref<1x128xi32, #tpu.memory_space<vmem>>
      %dma_wait3A_107 = tpu.memref_squeeze %dma_wait3A_106 : memref<1x128xi32, #tpu.memory_space<vmem>> -> memref<128xi32, #tpu.memory_space<vmem>>
      %dma_wait3A_108 = arith.constant 0 : i32
      %dma_wait3A_109 = arith.constant 0 : i32
      %dma_wait3A_110 = tpu.memref_slice %arg14[%dma_wait3A_108, %dma_wait3A_109] : memref<10240x32xf32, #tpu.memory_space<vmem_shared>> -> memref<10240x32xf32, #tpu.memory_space<vmem_shared>>
      tpu.wait_indirect_dma semaphore(%arg18 : memref<!tpu.dma_semaphore, #tpu.memory_space<semaphore_mem>>) src(%dma_wait3A_110 : memref<10240x32xf32, #tpu.memory_space<vmem_shared>>) dst(%arg11 : memref<128x32xf32, #tpu.memory_space<vmem>>)
      %add3A_111 = arith.constant 3 : i32
      %add3A_112 = arith.addi %mul3A_32, %add3A_111 : i32
      %dma_start3A_113 = arith.constant 0 : i32
      %dma_start3A_114 = tpu.memref_slice %arg7[%add3A_112, %dma_start3A_113] : memref<80x128xi32, #tpu.memory_space<vmem>> -> memref<1x128xi32, #tpu.memory_space<vmem>>
      %dma_start3A_115 = tpu.memref_squeeze %dma_start3A_114 : memref<1x128xi32, #tpu.memory_space<vmem>> -> memref<128xi32, #tpu.memory_space<vmem>>
      %dma_start3A_116 = arith.constant 0 : i32
      %dma_start3A_117 = arith.constant 0 : i32
      %dma_start3A_118 = tpu.memref_slice %arg13[%dma_start3A_116, %dma_start3A_117] : memref<10240x32xf32, #tpu.memory_space<vmem_shared>> -> memref<10240x32xf32, #tpu.memory_space<vmem_shared>>
      tpu.enqueue_indirect_dma source(%arg11 : memref<128x32xf32, #tpu.memory_space<vmem>>) target(%dma_start3A_118 : memref<10240x32xf32, #tpu.memory_space<vmem_shared>>) offsets(%dma_start3A_115 : memref<128xi32, #tpu.memory_space<vmem>>) semaphore(%arg22 : memref<!tpu.dma_semaphore, #tpu.memory_space<semaphore_mem>>) {add = true}
      %dma_wait3A_119 = arith.constant 0 : i32
      %dma_wait3A_120 = tpu.memref_slice %arg7[%add3A_70, %dma_wait3A_119] : memref<80x128xi32, #tpu.memory_space<vmem>> -> memref<1x128xi32, #tpu.memory_space<vmem>>
      %dma_wait3A_121 = tpu.memref_squeeze %dma_wait3A_120 : memref<1x128xi32, #tpu.memory_space<vmem>> -> memref<128xi32, #tpu.memory_space<vmem>>
      %dma_wait3A_122 = arith.constant 0 : i32
      %dma_wait3A_123 = arith.constant 0 : i32
      %dma_wait3A_124 = tpu.memref_slice %arg13[%dma_wait3A_122, %dma_wait3A_123] : memref<10240x32xf32, #tpu.memory_space<vmem_shared>> -> memref<10240x32xf32, #tpu.memory_space<vmem_shared>>
      tpu.wait_indirect_dma semaphore(%arg19 : memref<!tpu.dma_semaphore, #tpu.memory_space<semaphore_mem>>) src(%arg8 : memref<128x32xf32, #tpu.memory_space<vmem>>) dst(%dma_wait3A_124 : memref<10240x32xf32, #tpu.memory_space<vmem_shared>>)
      %dma_wait3A_125 = arith.constant 0 : i32
      %dma_wait3A_126 = tpu.memref_slice %arg7[%add3A_84, %dma_wait3A_125] : memref<80x128xi32, #tpu.memory_space<vmem>> -> memref<1x128xi32, #tpu.memory_space<vmem>>
      %dma_wait3A_127 = tpu.memref_squeeze %dma_wait3A_126 : memref<1x128xi32, #tpu.memory_space<vmem>> -> memref<128xi32, #tpu.memory_space<vmem>>
      %dma_wait3A_128 = arith.constant 0 : i32
      %dma_wait3A_129 = arith.constant 0 : i32
      %dma_wait3A_130 = tpu.memref_slice %arg13[%dma_wait3A_128, %dma_wait3A_129] : memref<10240x32xf32, #tpu.memory_space<vmem_shared>> -> memref<10240x32xf32, #tpu.memory_space<vmem_shared>>
      tpu.wait_indirect_dma semaphore(%arg20 : memref<!tpu.dma_semaphore, #tpu.memory_space<semaphore_mem>>) src(%arg9 : memref<128x32xf32, #tpu.memory_space<vmem>>) dst(%dma_wait3A_130 : memref<10240x32xf32, #tpu.memory_space<vmem_shared>>)
      %dma_wait3A_131 = arith.constant 0 : i32
      %dma_wait3A_132 = tpu.memref_slice %arg7[%add3A_98, %dma_wait3A_131] : memref<80x128xi32, #tpu.memory_space<vmem>> -> memref<1x128xi32, #tpu.memory_space<vmem>>
      %dma_wait3A_133 = tpu.memref_squeeze %dma_wait3A_132 : memref<1x128xi32, #tpu.memory_space<vmem>> -> memref<128xi32, #tpu.memory_space<vmem>>
      %dma_wait3A_134 = arith.constant 0 : i32
      %dma_wait3A_135 = arith.constant 0 : i32
      %dma_wait3A_136 = tpu.memref_slice %arg13[%dma_wait3A_134, %dma_wait3A_135] : memref<10240x32xf32, #tpu.memory_space<vmem_shared>> -> memref<10240x32xf32, #tpu.memory_space<vmem_shared>>
      tpu.wait_indirect_dma semaphore(%arg21 : memref<!tpu.dma_semaphore, #tpu.memory_space<semaphore_mem>>) src(%arg10 : memref<128x32xf32, #tpu.memory_space<vmem>>) dst(%dma_wait3A_136 : memref<10240x32xf32, #tpu.memory_space<vmem_shared>>)
      %dma_wait3A_137 = arith.constant 0 : i32
      %dma_wait3A_138 = tpu.memref_slice %arg7[%add3A_112, %dma_wait3A_137] : memref<80x128xi32, #tpu.memory_space<vmem>> -> memref<1x128xi32, #tpu.memory_space<vmem>>
      %dma_wait3A_139 = tpu.memref_squeeze %dma_wait3A_138 : memref<1x128xi32, #tpu.memory_space<vmem>> -> memref<128xi32, #tpu.memory_space<vmem>>
      %dma_wait3A_140 = arith.constant 0 : i32
      %dma_wait3A_141 = arith.constant 0 : i32
      %dma_wait3A_142 = tpu.memref_slice %arg13[%dma_wait3A_140, %dma_wait3A_141] : memref<10240x32xf32, #tpu.memory_space<vmem_shared>> -> memref<10240x32xf32, #tpu.memory_space<vmem_shared>>
      tpu.wait_indirect_dma semaphore(%arg22 : memref<!tpu.dma_semaphore, #tpu.memory_space<semaphore_mem>>) src(%arg11 : memref<128x32xf32, #tpu.memory_space<vmem>>) dst(%dma_wait3A_142 : memref<10240x32xf32, #tpu.memory_space<vmem_shared>>)
    }
    %scan3A_20 = arith.constant 20 : i32
    %barrier3A_21 = arith.constant 0 : index
    tpu.barrier barrier_id(%barrier3A_21)
    %mul3A_22 = arith.constant 640 : i32
    %mul3A_23 = arith.muli %arg1, %mul3A_22 : i32
    "tpu.region"() ({
      %run_scoped3A = tpu.sem_alloc : memref<!tpu.dma_semaphore, #tpu.memory_space<semaphore_mem>>
      %dma_start3A = arith.constant 0 : i32
      %dma_start3A_26 = tpu.memref_slice %arg13[%mul3A_23, %dma_start3A] : memref<10240x32xf32, #tpu.memory_space<vmem_shared>> -> memref<640x32xf32, #tpu.memory_space<vmem_shared>>
      %dma_start3A_27 = arith.constant 0 : i32
      %dma_start3A_28 = tpu.memref_slice %arg13[%mul3A_23, %dma_start3A_27] : memref<10240x32xf32, #tpu.memory_space<vmem_shared>> -> memref<640x32xf32, #tpu.memory_space<vmem_shared>>
      tpu.enqueue_dma source(%dma_start3A_28 : memref<640x32xf32, #tpu.memory_space<vmem_shared>>) target(%arg12 : memref<640x32xf32, #tpu.memory_space<vmem>>) target_semaphore(%run_scoped3A : memref<!tpu.dma_semaphore, #tpu.memory_space<semaphore_mem>>)
      %dma_wait3A = arith.constant 0 : i32
      %dma_wait3A_29 = tpu.memref_slice %arg13[%mul3A_23, %dma_wait3A] : memref<10240x32xf32, #tpu.memory_space<vmem_shared>> -> memref<640x32xf32, #tpu.memory_space<vmem_shared>>
      %dma_wait3A_30 = arith.constant 0 : i32
      %dma_wait3A_31 = tpu.memref_slice %arg13[%mul3A_23, %dma_wait3A_30] : memref<10240x32xf32, #tpu.memory_space<vmem_shared>> -> memref<640x32xf32, #tpu.memory_space<vmem_shared>>
      tpu.wait_dma2 semaphore(%run_scoped3A : memref<!tpu.dma_semaphore, #tpu.memory_space<semaphore_mem>>) src(%dma_wait3A_31 : memref<640x32xf32, #tpu.memory_space<vmem_shared>>) dst(%arg12 : memref<640x32xf32, #tpu.memory_space<vmem>>)
      tpu.yield
    }) : () -> ()
    %mul3A_24 = arith.constant 640 : i32
    %mul3A_25 = arith.muli %arg1, %mul3A_24 : i32
    "tpu.region"() ({
      %run_scoped3A = tpu.sem_alloc : memref<!tpu.dma_semaphore, #tpu.memory_space<semaphore_mem>>
      %dma_start3A = arith.constant 0 : i32
      %dma_start3A_26 = tpu.memref_slice %arg5[%arg0, %mul3A_25, %dma_start3A] : memref<2x10240x32xf32, #tpu.memory_space<hbm>> -> memref<1x640x32xf32, #tpu.memory_space<hbm>>
      %dma_start3A_27 = tpu.memref_squeeze %dma_start3A_26 : memref<1x640x32xf32, #tpu.memory_space<hbm>> -> memref<640x32xf32, #tpu.memory_space<hbm>>
      %dma_start3A_28 = arith.constant 0 : i32
      %dma_start3A_29 = tpu.memref_slice %arg5[%arg0, %mul3A_25, %dma_start3A_28] : memref<2x10240x32xf32, #tpu.memory_space<hbm>> -> memref<1x640x32xf32, #tpu.memory_space<hbm>>
      %dma_start3A_30 = tpu.memref_squeeze %dma_start3A_29 : memref<1x640x32xf32, #tpu.memory_space<hbm>> -> memref<640x32xf32, #tpu.memory_space<hbm>>
      tpu.enqueue_dma source(%arg12 : memref<640x32xf32, #tpu.memory_space<vmem>>) target(%dma_start3A_30 : memref<640x32xf32, #tpu.memory_space<hbm>>) target_semaphore(%run_scoped3A : memref<!tpu.dma_semaphore, #tpu.memory_space<semaphore_mem>>)
      %dma_wait3A = arith.constant 0 : i32
      %dma_wait3A_31 = tpu.memref_slice %arg5[%arg0, %mul3A_25, %dma_wait3A] : memref<2x10240x32xf32, #tpu.memory_space<hbm>> -> memref<1x640x32xf32, #tpu.memory_space<hbm>>
      %dma_wait3A_32 = tpu.memref_squeeze %dma_wait3A_31 : memref<1x640x32xf32, #tpu.memory_space<hbm>> -> memref<640x32xf32, #tpu.memory_space<hbm>>
      %dma_wait3A_33 = arith.constant 0 : i32
      %dma_wait3A_34 = tpu.memref_slice %arg5[%arg0, %mul3A_25, %dma_wait3A_33] : memref<2x10240x32xf32, #tpu.memory_space<hbm>> -> memref<1x640x32xf32, #tpu.memory_space<hbm>>
      %dma_wait3A_35 = tpu.memref_squeeze %dma_wait3A_34 : memref<1x640x32xf32, #tpu.memory_space<hbm>> -> memref<640x32xf32, #tpu.memory_space<hbm>>
      tpu.wait_dma2 semaphore(%run_scoped3A : memref<!tpu.dma_semaphore, #tpu.memory_space<semaphore_mem>>) src(%arg12 : memref<640x32xf32, #tpu.memory_space<vmem>>) dst(%dma_wait3A_35 : memref<640x32xf32, #tpu.memory_space<hbm>>)
      tpu.yield
    }) : () -> ()
    return
  }
}

#map = affine_map<(d0, d1) -> (0, 0)>
module attributes {stable_mosaic.version = 14 : i64} {
  func.func @_deg_body(%arg0: i32, %arg1: i32, %arg2: memref<2560x128xi32, #tpu.memory_space<hbm>>, %arg3: memref<2x10240xf32, #tpu.memory_space<hbm>>, %arg4: memref<128xf32, #tpu.memory_space<vmem>>, %arg5: memref<80x128xi32, #tpu.memory_space<vmem>>, %arg6: memref<640xf32, #tpu.memory_space<vmem>>, %arg7: memref<10240xf32, #tpu.memory_space<vmem_shared>>, %arg8: memref<!tpu.dma_semaphore, #tpu.memory_space<semaphore_mem>>, %arg9: memref<!tpu.dma_semaphore, #tpu.memory_space<semaphore_mem>>, %arg10: memref<!tpu.dma_semaphore, #tpu.memory_space<semaphore_mem>>, %arg11: memref<!tpu.dma_semaphore, #tpu.memory_space<semaphore_mem>>) attributes {dimension_semantics = [#tpu.dimension_semantics<core_parallel>, #tpu.dimension_semantics<subcore_parallel>], iteration_bounds = array<i64: 2, 16>, scalar_prefetch = 0 : i64, scratch_operands = 8 : i64, tpu.core_type = #tpu.core_type<sc_vector_subcore>, window_params = [{transform_indices = #map}, {transform_indices = #map}]} {
    %mul3A = arith.constant 16 : i32
    %mul3A_0 = arith.muli %arg0, %mul3A : i32
    %add3A = arith.addi %mul3A_0, %arg1 : i32
    %broadcast_in_dim3A = arith.constant 1.000000e+00 : f32
    %broadcast_in_dim3A_1 = vector.broadcast %broadcast_in_dim3A : f32 to vector<16xf32>
    %broadcast_in_dim3A_2 = arith.constant 0.000000e+00 : f32
    %broadcast_in_dim3A_3 = vector.broadcast %broadcast_in_dim3A_2 : f32 to vector<16xf32>
    %swap3A = arith.constant 0 : index
    %swap3A_4 = tpu.vector_load %arg4[%swap3A] {strides = array<i32>} : memref<128xf32, #tpu.memory_space<vmem>>, vector<16xf32>,
    %swap3A_5 = vector.shape_cast %swap3A_4 : vector<16xf32> to vector<16xf32>
    %swap3A_6 = vector.shape_cast %broadcast_in_dim3A_1 : vector<16xf32> to vector<16xf32>
    tpu.vector_store %arg4[%swap3A], %swap3A_6 {strides = array<i32>} : memref<128xf32, #tpu.memory_space<vmem>>, vector<16xf32>,
    %swap3A_7 = arith.constant 16 : index
    %swap3A_8 = tpu.vector_load %arg4[%swap3A_7] {strides = array<i32>} : memref<128xf32, #tpu.memory_space<vmem>>, vector<16xf32>,
    %swap3A_9 = vector.shape_cast %swap3A_8 : vector<16xf32> to vector<16xf32>
    %swap3A_10 = vector.shape_cast %broadcast_in_dim3A_1 : vector<16xf32> to vector<16xf32>
    tpu.vector_store %arg4[%swap3A_7], %swap3A_10 {strides = array<i32>} : memref<128xf32, #tpu.memory_space<vmem>>, vector<16xf32>,
    %swap3A_11 = arith.constant 32 : index
    %swap3A_12 = tpu.vector_load %arg4[%swap3A_11] {strides = array<i32>} : memref<128xf32, #tpu.memory_space<vmem>>, vector<16xf32>,
    %swap3A_13 = vector.shape_cast %swap3A_12 : vector<16xf32> to vector<16xf32>
    %swap3A_14 = vector.shape_cast %broadcast_in_dim3A_1 : vector<16xf32> to vector<16xf32>
    tpu.vector_store %arg4[%swap3A_11], %swap3A_14 {strides = array<i32>} : memref<128xf32, #tpu.memory_space<vmem>>, vector<16xf32>,
    %swap3A_15 = arith.constant 48 : index
    %swap3A_16 = tpu.vector_load %arg4[%swap3A_15] {strides = array<i32>} : memref<128xf32, #tpu.memory_space<vmem>>, vector<16xf32>,
    %swap3A_17 = vector.shape_cast %swap3A_16 : vector<16xf32> to vector<16xf32>
    %swap3A_18 = vector.shape_cast %broadcast_in_dim3A_1 : vector<16xf32> to vector<16xf32>
    tpu.vector_store %arg4[%swap3A_15], %swap3A_18 {strides = array<i32>} : memref<128xf32, #tpu.memory_space<vmem>>, vector<16xf32>,
    %swap3A_19 = arith.constant 64 : index
    %swap3A_20 = tpu.vector_load %arg4[%swap3A_19] {strides = array<i32>} : memref<128xf32, #tpu.memory_space<vmem>>, vector<16xf32>,
    %swap3A_21 = vector.shape_cast %swap3A_20 : vector<16xf32> to vector<16xf32>
    %swap3A_22 = vector.shape_cast %broadcast_in_dim3A_1 : vector<16xf32> to vector<16xf32>
    tpu.vector_store %arg4[%swap3A_19], %swap3A_22 {strides = array<i32>} : memref<128xf32, #tpu.memory_space<vmem>>, vector<16xf32>,
    %swap3A_23 = arith.constant 80 : index
    %swap3A_24 = tpu.vector_load %arg4[%swap3A_23] {strides = array<i32>} : memref<128xf32, #tpu.memory_space<vmem>>, vector<16xf32>,
    %swap3A_25 = vector.shape_cast %swap3A_24 : vector<16xf32> to vector<16xf32>
    %swap3A_26 = vector.shape_cast %broadcast_in_dim3A_1 : vector<16xf32> to vector<16xf32>
    tpu.vector_store %arg4[%swap3A_23], %swap3A_26 {strides = array<i32>} : memref<128xf32, #tpu.memory_space<vmem>>, vector<16xf32>,
    %swap3A_27 = arith.constant 96 : index
    %swap3A_28 = tpu.vector_load %arg4[%swap3A_27] {strides = array<i32>} : memref<128xf32, #tpu.memory_space<vmem>>, vector<16xf32>,
    %swap3A_29 = vector.shape_cast %swap3A_28 : vector<16xf32> to vector<16xf32>
    %swap3A_30 = vector.shape_cast %broadcast_in_dim3A_1 : vector<16xf32> to vector<16xf32>
    tpu.vector_store %arg4[%swap3A_27], %swap3A_30 {strides = array<i32>} : memref<128xf32, #tpu.memory_space<vmem>>, vector<16xf32>,
    %swap3A_31 = arith.constant 112 : index
    %swap3A_32 = tpu.vector_load %arg4[%swap3A_31] {strides = array<i32>} : memref<128xf32, #tpu.memory_space<vmem>>, vector<16xf32>,
    %swap3A_33 = vector.shape_cast %swap3A_32 : vector<16xf32> to vector<16xf32>
    %swap3A_34 = vector.shape_cast %broadcast_in_dim3A_1 : vector<16xf32> to vector<16xf32>
    tpu.vector_store %arg4[%swap3A_31], %swap3A_34 {strides = array<i32>} : memref<128xf32, #tpu.memory_space<vmem>>, vector<16xf32>,
    %scan3A = arith.constant 0 : i32
    %scan3A_35 = arith.constant 40 : i32
    %scan3A_36 = arith.addi %scan3A, %scan3A_35 : i32
    %scan3A_37 = arith.constant 8 : i32
    scf.for %scan3A_53 = %scan3A to %scan3A_36 step %scan3A_37  : i32 {
      %mul3A_54 = arith.constant 1 : i32
      %mul3A_55 = arith.muli %scan3A_53, %mul3A_54 : i32
      %add3A_56 = arith.constant 0 : i32
      %add3A_57 = arith.addi %add3A_56, %mul3A_55 : i32
      %mul3A_58 = arith.constant 16 : i32
      %mul3A_59 = arith.muli %add3A_57, %mul3A_58 : i32
      %swap3A_60 = arith.index_cast %mul3A_59 : i32 to index
      %swap3A_61 = tpu.vector_load %arg6[%swap3A_60] {strides = array<i32>} : memref<640xf32, #tpu.memory_space<vmem>>, vector<16xf32>,
      %swap3A_62 = vector.shape_cast %swap3A_61 : vector<16xf32> to vector<16xf32>
      %swap3A_63 = vector.shape_cast %broadcast_in_dim3A_3 : vector<16xf32> to vector<16xf32>
      tpu.vector_store %arg6[%swap3A_60], %swap3A_63 {strides = array<i32>} : memref<640xf32, #tpu.memory_space<vmem>>, vector<16xf32>,
      %scan3A_64 = arith.constant 1 : i32
      %scan3A_65 = arith.addi %scan3A_53, %scan3A_64 : i32
      %mul3A_66 = arith.constant 1 : i32
      %mul3A_67 = arith.muli %scan3A_65, %mul3A_66 : i32
      %add3A_68 = arith.constant 0 : i32
      %add3A_69 = arith.addi %add3A_68, %mul3A_67 : i32
      %mul3A_70 = arith.constant 16 : i32
      %mul3A_71 = arith.muli %add3A_69, %mul3A_70 : i32
      %swap3A_72 = arith.index_cast %mul3A_71 : i32 to index
      %swap3A_73 = tpu.vector_load %arg6[%swap3A_72] {strides = array<i32>} : memref<640xf32, #tpu.memory_space<vmem>>, vector<16xf32>,
      %swap3A_74 = vector.shape_cast %swap3A_73 : vector<16xf32> to vector<16xf32>
      %swap3A_75 = vector.shape_cast %broadcast_in_dim3A_3 : vector<16xf32> to vector<16xf32>
      tpu.vector_store %arg6[%swap3A_72], %swap3A_75 {strides = array<i32>} : memref<640xf32, #tpu.memory_space<vmem>>, vector<16xf32>,
      %scan3A_76 = arith.constant 2 : i32
      %scan3A_77 = arith.addi %scan3A_53, %scan3A_76 : i32
      %mul3A_78 = arith.constant 1 : i32
      %mul3A_79 = arith.muli %scan3A_77, %mul3A_78 : i32
      %add3A_80 = arith.constant 0 : i32
      %add3A_81 = arith.addi %add3A_80, %mul3A_79 : i32
      %mul3A_82 = arith.constant 16 : i32
      %mul3A_83 = arith.muli %add3A_81, %mul3A_82 : i32
      %swap3A_84 = arith.index_cast %mul3A_83 : i32 to index
      %swap3A_85 = tpu.vector_load %arg6[%swap3A_84] {strides = array<i32>} : memref<640xf32, #tpu.memory_space<vmem>>, vector<16xf32>,
      %swap3A_86 = vector.shape_cast %swap3A_85 : vector<16xf32> to vector<16xf32>
      %swap3A_87 = vector.shape_cast %broadcast_in_dim3A_3 : vector<16xf32> to vector<16xf32>
      tpu.vector_store %arg6[%swap3A_84], %swap3A_87 {strides = array<i32>} : memref<640xf32, #tpu.memory_space<vmem>>, vector<16xf32>,
      %scan3A_88 = arith.constant 3 : i32
      %scan3A_89 = arith.addi %scan3A_53, %scan3A_88 : i32
      %mul3A_90 = arith.constant 1 : i32
      %mul3A_91 = arith.muli %scan3A_89, %mul3A_90 : i32
      %add3A_92 = arith.constant 0 : i32
      %add3A_93 = arith.addi %add3A_92, %mul3A_91 : i32
      %mul3A_94 = arith.constant 16 : i32
      %mul3A_95 = arith.muli %add3A_93, %mul3A_94 : i32
      %swap3A_96 = arith.index_cast %mul3A_95 : i32 to index
      %swap3A_97 = tpu.vector_load %arg6[%swap3A_96] {strides = array<i32>} : memref<640xf32, #tpu.memory_space<vmem>>, vector<16xf32>,
      %swap3A_98 = vector.shape_cast %swap3A_97 : vector<16xf32> to vector<16xf32>
      %swap3A_99 = vector.shape_cast %broadcast_in_dim3A_3 : vector<16xf32> to vector<16xf32>
      tpu.vector_store %arg6[%swap3A_96], %swap3A_99 {strides = array<i32>} : memref<640xf32, #tpu.memory_space<vmem>>, vector<16xf32>,
      %scan3A_100 = arith.constant 4 : i32
      %scan3A_101 = arith.addi %scan3A_53, %scan3A_100 : i32
      %mul3A_102 = arith.constant 1 : i32
      %mul3A_103 = arith.muli %scan3A_101, %mul3A_102 : i32
      %add3A_104 = arith.constant 0 : i32
      %add3A_105 = arith.addi %add3A_104, %mul3A_103 : i32
      %mul3A_106 = arith.constant 16 : i32
      %mul3A_107 = arith.muli %add3A_105, %mul3A_106 : i32
      %swap3A_108 = arith.index_cast %mul3A_107 : i32 to index
      %swap3A_109 = tpu.vector_load %arg6[%swap3A_108] {strides = array<i32>} : memref<640xf32, #tpu.memory_space<vmem>>, vector<16xf32>,
      %swap3A_110 = vector.shape_cast %swap3A_109 : vector<16xf32> to vector<16xf32>
      %swap3A_111 = vector.shape_cast %broadcast_in_dim3A_3 : vector<16xf32> to vector<16xf32>
      tpu.vector_store %arg6[%swap3A_108], %swap3A_111 {strides = array<i32>} : memref<640xf32, #tpu.memory_space<vmem>>, vector<16xf32>,
      %scan3A_112 = arith.constant 5 : i32
      %scan3A_113 = arith.addi %scan3A_53, %scan3A_112 : i32
      %mul3A_114 = arith.constant 1 : i32
      %mul3A_115 = arith.muli %scan3A_113, %mul3A_114 : i32
      %add3A_116 = arith.constant 0 : i32
      %add3A_117 = arith.addi %add3A_116, %mul3A_115 : i32
      %mul3A_118 = arith.constant 16 : i32
      %mul3A_119 = arith.muli %add3A_117, %mul3A_118 : i32
      %swap3A_120 = arith.index_cast %mul3A_119 : i32 to index
      %swap3A_121 = tpu.vector_load %arg6[%swap3A_120] {strides = array<i32>} : memref<640xf32, #tpu.memory_space<vmem>>, vector<16xf32>,
      %swap3A_122 = vector.shape_cast %swap3A_121 : vector<16xf32> to vector<16xf32>
      %swap3A_123 = vector.shape_cast %broadcast_in_dim3A_3 : vector<16xf32> to vector<16xf32>
      tpu.vector_store %arg6[%swap3A_120], %swap3A_123 {strides = array<i32>} : memref<640xf32, #tpu.memory_space<vmem>>, vector<16xf32>,
      %scan3A_124 = arith.constant 6 : i32
      %scan3A_125 = arith.addi %scan3A_53, %scan3A_124 : i32
      %mul3A_126 = arith.constant 1 : i32
      %mul3A_127 = arith.muli %scan3A_125, %mul3A_126 : i32
      %add3A_128 = arith.constant 0 : i32
      %add3A_129 = arith.addi %add3A_128, %mul3A_127 : i32
      %mul3A_130 = arith.constant 16 : i32
      %mul3A_131 = arith.muli %add3A_129, %mul3A_130 : i32
      %swap3A_132 = arith.index_cast %mul3A_131 : i32 to index
      %swap3A_133 = tpu.vector_load %arg6[%swap3A_132] {strides = array<i32>} : memref<640xf32, #tpu.memory_space<vmem>>, vector<16xf32>,
      %swap3A_134 = vector.shape_cast %swap3A_133 : vector<16xf32> to vector<16xf32>
      %swap3A_135 = vector.shape_cast %broadcast_in_dim3A_3 : vector<16xf32> to vector<16xf32>
      tpu.vector_store %arg6[%swap3A_132], %swap3A_135 {strides = array<i32>} : memref<640xf32, #tpu.memory_space<vmem>>, vector<16xf32>,
      %scan3A_136 = arith.constant 7 : i32
      %scan3A_137 = arith.addi %scan3A_53, %scan3A_136 : i32
      %mul3A_138 = arith.constant 1 : i32
      %mul3A_139 = arith.muli %scan3A_137, %mul3A_138 : i32
      %add3A_140 = arith.constant 0 : i32
      %add3A_141 = arith.addi %add3A_140, %mul3A_139 : i32
      %mul3A_142 = arith.constant 16 : i32
      %mul3A_143 = arith.muli %add3A_141, %mul3A_142 : i32
      %swap3A_144 = arith.index_cast %mul3A_143 : i32 to index
      %swap3A_145 = tpu.vector_load %arg6[%swap3A_144] {strides = array<i32>} : memref<640xf32, #tpu.memory_space<vmem>>, vector<16xf32>,
      %swap3A_146 = vector.shape_cast %swap3A_145 : vector<16xf32> to vector<16xf32>
      %swap3A_147 = vector.shape_cast %broadcast_in_dim3A_3 : vector<16xf32> to vector<16xf32>
      tpu.vector_store %arg6[%swap3A_144], %swap3A_147 {strides = array<i32>} : memref<640xf32, #tpu.memory_space<vmem>>, vector<16xf32>,
    }
    %scan3A_38 = arith.constant 40 : i32
    %mul3A_39 = arith.constant 80 : i32
    %mul3A_40 = arith.muli %add3A, %mul3A_39 : i32
    "tpu.region"() ({
      %run_scoped3A = tpu.sem_alloc : memref<!tpu.dma_semaphore, #tpu.memory_space<semaphore_mem>>
      %dma_start3A = arith.constant 0 : i32
      %dma_start3A_53 = tpu.memref_slice %arg2[%mul3A_40, %dma_start3A] : memref<2560x128xi32, #tpu.memory_space<hbm>> -> memref<80x128xi32, #tpu.memory_space<hbm>>
      %dma_start3A_54 = arith.constant 0 : i32
      %dma_start3A_55 = tpu.memref_slice %arg2[%mul3A_40, %dma_start3A_54] : memref<2560x128xi32, #tpu.memory_space<hbm>> -> memref<80x128xi32, #tpu.memory_space<hbm>>
      tpu.enqueue_dma source(%dma_start3A_55 : memref<80x128xi32, #tpu.memory_space<hbm>>) target(%arg5 : memref<80x128xi32, #tpu.memory_space<vmem>>) target_semaphore(%run_scoped3A : memref<!tpu.dma_semaphore, #tpu.memory_space<semaphore_mem>>)
      %dma_wait3A = arith.constant 0 : i32
      %dma_wait3A_56 = tpu.memref_slice %arg2[%mul3A_40, %dma_wait3A] : memref<2560x128xi32, #tpu.memory_space<hbm>> -> memref<80x128xi32, #tpu.memory_space<hbm>>
      %dma_wait3A_57 = arith.constant 0 : i32
      %dma_wait3A_58 = tpu.memref_slice %arg2[%mul3A_40, %dma_wait3A_57] : memref<2560x128xi32, #tpu.memory_space<hbm>> -> memref<80x128xi32, #tpu.memory_space<hbm>>
      tpu.wait_dma2 semaphore(%run_scoped3A : memref<!tpu.dma_semaphore, #tpu.memory_space<semaphore_mem>>) src(%dma_wait3A_58 : memref<80x128xi32, #tpu.memory_space<hbm>>) dst(%arg5 : memref<80x128xi32, #tpu.memory_space<vmem>>)
      tpu.yield
    }) : () -> ()
    %mul3A_41 = arith.constant 640 : i32
    %mul3A_42 = arith.muli %arg1, %mul3A_41 : i32
    "tpu.region"() ({
      %run_scoped3A = tpu.sem_alloc : memref<!tpu.dma_semaphore, #tpu.memory_space<semaphore_mem>>
      %dma_start3A = tpu.memref_slice %arg7[%mul3A_42] : memref<10240xf32, #tpu.memory_space<vmem_shared>> -> memref<640xf32, #tpu.memory_space<vmem_shared>>
      %dma_start3A_53 = tpu.memref_slice %arg7[%mul3A_42] : memref<10240xf32, #tpu.memory_space<vmem_shared>> -> memref<640xf32, #tpu.memory_space<vmem_shared>>
      tpu.enqueue_dma source(%arg6 : memref<640xf32, #tpu.memory_space<vmem>>) target(%dma_start3A_53 : memref<640xf32, #tpu.memory_space<vmem_shared>>) target_semaphore(%run_scoped3A : memref<!tpu.dma_semaphore, #tpu.memory_space<semaphore_mem>>)
      %dma_wait3A = tpu.memref_slice %arg7[%mul3A_42] : memref<10240xf32, #tpu.memory_space<vmem_shared>> -> memref<640xf32, #tpu.memory_space<vmem_shared>>
      %dma_wait3A_54 = tpu.memref_slice %arg7[%mul3A_42] : memref<10240xf32, #tpu.memory_space<vmem_shared>> -> memref<640xf32, #tpu.memory_space<vmem_shared>>
      tpu.wait_dma2 semaphore(%run_scoped3A : memref<!tpu.dma_semaphore, #tpu.memory_space<semaphore_mem>>) src(%arg6 : memref<640xf32, #tpu.memory_space<vmem>>) dst(%dma_wait3A_54 : memref<640xf32, #tpu.memory_space<vmem_shared>>)
      tpu.yield
    }) : () -> ()
    %barrier3A = arith.constant 0 : index
    tpu.barrier barrier_id(%barrier3A)
    %scan3A_43 = arith.constant 0 : i32
    %scan3A_44 = arith.constant 20 : i32
    %scan3A_45 = arith.addi %scan3A_43, %scan3A_44 : i32
    %scan3A_46 = arith.constant 1 : i32
    scf.for %scan3A_53 = %scan3A_43 to %scan3A_45 step %scan3A_46  : i32 {
      %mul3A_54 = arith.constant 1 : i32
      %mul3A_55 = arith.muli %scan3A_53, %mul3A_54 : i32
      %add3A_56 = arith.constant 0 : i32
      %add3A_57 = arith.addi %add3A_56, %mul3A_55 : i32
      %mul3A_58 = arith.constant 4 : i32
      %mul3A_59 = arith.muli %add3A_57, %mul3A_58 : i32
      %add3A_60 = arith.constant 0 : i32
      %add3A_61 = arith.addi %mul3A_59, %add3A_60 : i32
      %dma_start3A = arith.constant 0 : i32
      %dma_start3A_62 = tpu.memref_slice %arg5[%add3A_61, %dma_start3A] : memref<80x128xi32, #tpu.memory_space<vmem>> -> memref<1x128xi32, #tpu.memory_space<vmem>>
      %dma_start3A_63 = tpu.memref_squeeze %dma_start3A_62 : memref<1x128xi32, #tpu.memory_space<vmem>> -> memref<128xi32, #tpu.memory_space<vmem>>
      %dma_start3A_64 = arith.constant 0 : i32
      %dma_start3A_65 = tpu.memref_slice %arg7[%dma_start3A_64] : memref<10240xf32, #tpu.memory_space<vmem_shared>> -> memref<10240xf32, #tpu.memory_space<vmem_shared>>
      tpu.enqueue_indirect_dma source(%arg4 : memref<128xf32, #tpu.memory_space<vmem>>) target(%dma_start3A_65 : memref<10240xf32, #tpu.memory_space<vmem_shared>>) offsets(%dma_start3A_63 : memref<128xi32, #tpu.memory_space<vmem>>) semaphore(%arg8 : memref<!tpu.dma_semaphore, #tpu.memory_space<semaphore_mem>>) {add = true}
      %add3A_66 = arith.constant 1 : i32
      %add3A_67 = arith.addi %mul3A_59, %add3A_66 : i32
      %dma_start3A_68 = arith.constant 0 : i32
      %dma_start3A_69 = tpu.memref_slice %arg5[%add3A_67, %dma_start3A_68] : memref<80x128xi32, #tpu.memory_space<vmem>> -> memref<1x128xi32, #tpu.memory_space<vmem>>
      %dma_start3A_70 = tpu.memref_squeeze %dma_start3A_69 : memref<1x128xi32, #tpu.memory_space<vmem>> -> memref<128xi32, #tpu.memory_space<vmem>>
      %dma_start3A_71 = arith.constant 0 : i32
      %dma_start3A_72 = tpu.memref_slice %arg7[%dma_start3A_71] : memref<10240xf32, #tpu.memory_space<vmem_shared>> -> memref<10240xf32, #tpu.memory_space<vmem_shared>>
      tpu.enqueue_indirect_dma source(%arg4 : memref<128xf32, #tpu.memory_space<vmem>>) target(%dma_start3A_72 : memref<10240xf32, #tpu.memory_space<vmem_shared>>) offsets(%dma_start3A_70 : memref<128xi32, #tpu.memory_space<vmem>>) semaphore(%arg9 : memref<!tpu.dma_semaphore, #tpu.memory_space<semaphore_mem>>) {add = true}
      %add3A_73 = arith.constant 2 : i32
      %add3A_74 = arith.addi %mul3A_59, %add3A_73 : i32
      %dma_start3A_75 = arith.constant 0 : i32
      %dma_start3A_76 = tpu.memref_slice %arg5[%add3A_74, %dma_start3A_75] : memref<80x128xi32, #tpu.memory_space<vmem>> -> memref<1x128xi32, #tpu.memory_space<vmem>>
      %dma_start3A_77 = tpu.memref_squeeze %dma_start3A_76 : memref<1x128xi32, #tpu.memory_space<vmem>> -> memref<128xi32, #tpu.memory_space<vmem>>
      %dma_start3A_78 = arith.constant 0 : i32
      %dma_start3A_79 = tpu.memref_slice %arg7[%dma_start3A_78] : memref<10240xf32, #tpu.memory_space<vmem_shared>> -> memref<10240xf32, #tpu.memory_space<vmem_shared>>
      tpu.enqueue_indirect_dma source(%arg4 : memref<128xf32, #tpu.memory_space<vmem>>) target(%dma_start3A_79 : memref<10240xf32, #tpu.memory_space<vmem_shared>>) offsets(%dma_start3A_77 : memref<128xi32, #tpu.memory_space<vmem>>) semaphore(%arg10 : memref<!tpu.dma_semaphore, #tpu.memory_space<semaphore_mem>>) {add = true}
      %add3A_80 = arith.constant 3 : i32
      %add3A_81 = arith.addi %mul3A_59, %add3A_80 : i32
      %dma_start3A_82 = arith.constant 0 : i32
      %dma_start3A_83 = tpu.memref_slice %arg5[%add3A_81, %dma_start3A_82] : memref<80x128xi32, #tpu.memory_space<vmem>> -> memref<1x128xi32, #tpu.memory_space<vmem>>
      %dma_start3A_84 = tpu.memref_squeeze %dma_start3A_83 : memref<1x128xi32, #tpu.memory_space<vmem>> -> memref<128xi32, #tpu.memory_space<vmem>>
      %dma_start3A_85 = arith.constant 0 : i32
      %dma_start3A_86 = tpu.memref_slice %arg7[%dma_start3A_85] : memref<10240xf32, #tpu.memory_space<vmem_shared>> -> memref<10240xf32, #tpu.memory_space<vmem_shared>>
      tpu.enqueue_indirect_dma source(%arg4 : memref<128xf32, #tpu.memory_space<vmem>>) target(%dma_start3A_86 : memref<10240xf32, #tpu.memory_space<vmem_shared>>) offsets(%dma_start3A_84 : memref<128xi32, #tpu.memory_space<vmem>>) semaphore(%arg11 : memref<!tpu.dma_semaphore, #tpu.memory_space<semaphore_mem>>) {add = true}
      %dma_wait3A = arith.constant 0 : i32
      %dma_wait3A_87 = tpu.memref_slice %arg5[%add3A_61, %dma_wait3A] : memref<80x128xi32, #tpu.memory_space<vmem>> -> memref<1x128xi32, #tpu.memory_space<vmem>>
      %dma_wait3A_88 = tpu.memref_squeeze %dma_wait3A_87 : memref<1x128xi32, #tpu.memory_space<vmem>> -> memref<128xi32, #tpu.memory_space<vmem>>
      %dma_wait3A_89 = arith.constant 0 : i32
      %dma_wait3A_90 = tpu.memref_slice %arg7[%dma_wait3A_89] : memref<10240xf32, #tpu.memory_space<vmem_shared>> -> memref<10240xf32, #tpu.memory_space<vmem_shared>>
      tpu.wait_indirect_dma semaphore(%arg8 : memref<!tpu.dma_semaphore, #tpu.memory_space<semaphore_mem>>) src(%arg4 : memref<128xf32, #tpu.memory_space<vmem>>) dst(%dma_wait3A_90 : memref<10240xf32, #tpu.memory_space<vmem_shared>>)
      %dma_wait3A_91 = arith.constant 0 : i32
      %dma_wait3A_92 = tpu.memref_slice %arg5[%add3A_67, %dma_wait3A_91] : memref<80x128xi32, #tpu.memory_space<vmem>> -> memref<1x128xi32, #tpu.memory_space<vmem>>
      %dma_wait3A_93 = tpu.memref_squeeze %dma_wait3A_92 : memref<1x128xi32, #tpu.memory_space<vmem>> -> memref<128xi32, #tpu.memory_space<vmem>>
      %dma_wait3A_94 = arith.constant 0 : i32
      %dma_wait3A_95 = tpu.memref_slice %arg7[%dma_wait3A_94] : memref<10240xf32, #tpu.memory_space<vmem_shared>> -> memref<10240xf32, #tpu.memory_space<vmem_shared>>
      tpu.wait_indirect_dma semaphore(%arg9 : memref<!tpu.dma_semaphore, #tpu.memory_space<semaphore_mem>>) src(%arg4 : memref<128xf32, #tpu.memory_space<vmem>>) dst(%dma_wait3A_95 : memref<10240xf32, #tpu.memory_space<vmem_shared>>)
      %dma_wait3A_96 = arith.constant 0 : i32
      %dma_wait3A_97 = tpu.memref_slice %arg5[%add3A_74, %dma_wait3A_96] : memref<80x128xi32, #tpu.memory_space<vmem>> -> memref<1x128xi32, #tpu.memory_space<vmem>>
      %dma_wait3A_98 = tpu.memref_squeeze %dma_wait3A_97 : memref<1x128xi32, #tpu.memory_space<vmem>> -> memref<128xi32, #tpu.memory_space<vmem>>
      %dma_wait3A_99 = arith.constant 0 : i32
      %dma_wait3A_100 = tpu.memref_slice %arg7[%dma_wait3A_99] : memref<10240xf32, #tpu.memory_space<vmem_shared>> -> memref<10240xf32, #tpu.memory_space<vmem_shared>>
      tpu.wait_indirect_dma semaphore(%arg10 : memref<!tpu.dma_semaphore, #tpu.memory_space<semaphore_mem>>) src(%arg4 : memref<128xf32, #tpu.memory_space<vmem>>) dst(%dma_wait3A_100 : memref<10240xf32, #tpu.memory_space<vmem_shared>>)
      %dma_wait3A_101 = arith.constant 0 : i32
      %dma_wait3A_102 = tpu.memref_slice %arg5[%add3A_81, %dma_wait3A_101] : memref<80x128xi32, #tpu.memory_space<vmem>> -> memref<1x128xi32, #tpu.memory_space<vmem>>
      %dma_wait3A_103 = tpu.memref_squeeze %dma_wait3A_102 : memref<1x128xi32, #tpu.memory_space<vmem>> -> memref<128xi32, #tpu.memory_space<vmem>>
      %dma_wait3A_104 = arith.constant 0 : i32
      %dma_wait3A_105 = tpu.memref_slice %arg7[%dma_wait3A_104] : memref<10240xf32, #tpu.memory_space<vmem_shared>> -> memref<10240xf32, #tpu.memory_space<vmem_shared>>
      tpu.wait_indirect_dma semaphore(%arg11 : memref<!tpu.dma_semaphore, #tpu.memory_space<semaphore_mem>>) src(%arg4 : memref<128xf32, #tpu.memory_space<vmem>>) dst(%dma_wait3A_105 : memref<10240xf32, #tpu.memory_space<vmem_shared>>)
    }
    %scan3A_47 = arith.constant 20 : i32
    %barrier3A_48 = arith.constant 0 : index
    tpu.barrier barrier_id(%barrier3A_48)
    %mul3A_49 = arith.constant 640 : i32
    %mul3A_50 = arith.muli %arg1, %mul3A_49 : i32
    "tpu.region"() ({
      %run_scoped3A = tpu.sem_alloc : memref<!tpu.dma_semaphore, #tpu.memory_space<semaphore_mem>>
      %dma_start3A = tpu.memref_slice %arg7[%mul3A_50] : memref<10240xf32, #tpu.memory_space<vmem_shared>> -> memref<640xf32, #tpu.memory_space<vmem_shared>>
      %dma_start3A_53 = tpu.memref_slice %arg7[%mul3A_50] : memref<10240xf32, #tpu.memory_space<vmem_shared>> -> memref<640xf32, #tpu.memory_space<vmem_shared>>
      tpu.enqueue_dma source(%dma_start3A_53 : memref<640xf32, #tpu.memory_space<vmem_shared>>) target(%arg6 : memref<640xf32, #tpu.memory_space<vmem>>) target_semaphore(%run_scoped3A : memref<!tpu.dma_semaphore, #tpu.memory_space<semaphore_mem>>)
      %dma_wait3A = tpu.memref_slice %arg7[%mul3A_50] : memref<10240xf32, #tpu.memory_space<vmem_shared>> -> memref<640xf32, #tpu.memory_space<vmem_shared>>
      %dma_wait3A_54 = tpu.memref_slice %arg7[%mul3A_50] : memref<10240xf32, #tpu.memory_space<vmem_shared>> -> memref<640xf32, #tpu.memory_space<vmem_shared>>
      tpu.wait_dma2 semaphore(%run_scoped3A : memref<!tpu.dma_semaphore, #tpu.memory_space<semaphore_mem>>) src(%dma_wait3A_54 : memref<640xf32, #tpu.memory_space<vmem_shared>>) dst(%arg6 : memref<640xf32, #tpu.memory_space<vmem>>)
      tpu.yield
    }) : () -> ()
    %mul3A_51 = arith.constant 640 : i32
    %mul3A_52 = arith.muli %arg1, %mul3A_51 : i32
    "tpu.region"() ({
      %run_scoped3A = tpu.sem_alloc : memref<!tpu.dma_semaphore, #tpu.memory_space<semaphore_mem>>
      %dma_start3A = tpu.memref_slice %arg3[%arg0, %mul3A_52] : memref<2x10240xf32, #tpu.memory_space<hbm>> -> memref<1x640xf32, #tpu.memory_space<hbm>>
      %dma_start3A_53 = tpu.memref_squeeze %dma_start3A : memref<1x640xf32, #tpu.memory_space<hbm>> -> memref<640xf32, #tpu.memory_space<hbm>>
      %dma_start3A_54 = tpu.memref_slice %arg3[%arg0, %mul3A_52] : memref<2x10240xf32, #tpu.memory_space<hbm>> -> memref<1x640xf32, #tpu.memory_space<hbm>>
      %dma_start3A_55 = tpu.memref_squeeze %dma_start3A_54 : memref<1x640xf32, #tpu.memory_space<hbm>> -> memref<640xf32, #tpu.memory_space<hbm>>
      tpu.enqueue_dma source(%arg6 : memref<640xf32, #tpu.memory_space<vmem>>) target(%dma_start3A_55 : memref<640xf32, #tpu.memory_space<hbm>>) target_semaphore(%run_scoped3A : memref<!tpu.dma_semaphore, #tpu.memory_space<semaphore_mem>>)
      %dma_wait3A = tpu.memref_slice %arg3[%arg0, %mul3A_52] : memref<2x10240xf32, #tpu.memory_space<hbm>> -> memref<1x640xf32, #tpu.memory_space<hbm>>
      %dma_wait3A_56 = tpu.memref_squeeze %dma_wait3A : memref<1x640xf32, #tpu.memory_space<hbm>> -> memref<640xf32, #tpu.memory_space<hbm>>
      %dma_wait3A_57 = tpu.memref_slice %arg3[%arg0, %mul3A_52] : memref<2x10240xf32, #tpu.memory_space<hbm>> -> memref<1x640xf32, #tpu.memory_space<hbm>>
      %dma_wait3A_58 = tpu.memref_squeeze %dma_wait3A_57 : memref<1x640xf32, #tpu.memory_space<hbm>> -> memref<640xf32, #tpu.memory_space<hbm>>
      tpu.wait_dma2 semaphore(%run_scoped3A : memref<!tpu.dma_semaphore, #tpu.memory_space<semaphore_mem>>) src(%arg6 : memref<640xf32, #tpu.memory_space<vmem>>) dst(%dma_wait3A_58 : memref<640xf32, #tpu.memory_space<hbm>>)
      tpu.yield
    }) : () -> ()
    return
  }
}

#map = affine_map<(d0, d1) -> (0, 0)>
#map1 = affine_map<(d0, d1) -> (0, 0, 0)>
module attributes {stable_mosaic.version = 14 : i64} {
  func.func @_prop_body(%arg0: i32, %arg1: i32, %arg2: memref<10240x32xf32, #tpu.memory_space<hbm>>, %arg3: memref<2560x128xi32, #tpu.memory_space<hbm>>, %arg4: memref<2560x128xi32, #tpu.memory_space<hbm>>, %arg5: memref<2x10240x32xf32, #tpu.memory_space<hbm>>, %arg6: memref<80x128xi32, #tpu.memory_space<vmem>>, %arg7: memref<80x128xi32, #tpu.memory_space<vmem>>, %arg8: memref<128x32xf32, #tpu.memory_space<vmem>>, %arg9: memref<128x32xf32, #tpu.memory_space<vmem>>, %arg10: memref<128x32xf32, #tpu.memory_space<vmem>>, %arg11: memref<128x32xf32, #tpu.memory_space<vmem>>, %arg12: memref<640x32xf32, #tpu.memory_space<vmem>>, %arg13: memref<10240x32xf32, #tpu.memory_space<vmem_shared>>, %arg14: memref<10240x32xf32, #tpu.memory_space<vmem_shared>>, %arg15: memref<!tpu.dma_semaphore, #tpu.memory_space<semaphore_mem>>, %arg16: memref<!tpu.dma_semaphore, #tpu.memory_space<semaphore_mem>>, %arg17: memref<!tpu.dma_semaphore, #tpu.memory_space<semaphore_mem>>, %arg18: memref<!tpu.dma_semaphore, #tpu.memory_space<semaphore_mem>>, %arg19: memref<!tpu.dma_semaphore, #tpu.memory_space<semaphore_mem>>, %arg20: memref<!tpu.dma_semaphore, #tpu.memory_space<semaphore_mem>>, %arg21: memref<!tpu.dma_semaphore, #tpu.memory_space<semaphore_mem>>, %arg22: memref<!tpu.dma_semaphore, #tpu.memory_space<semaphore_mem>>) attributes {dimension_semantics = [#tpu.dimension_semantics<core_parallel>, #tpu.dimension_semantics<subcore_parallel>], iteration_bounds = array<i64: 2, 16>, scalar_prefetch = 0 : i64, scratch_operands = 17 : i64, tpu.core_type = #tpu.core_type<sc_vector_subcore>, window_params = [{transform_indices = #map}, {transform_indices = #map}, {transform_indices = #map}, {transform_indices = #map1}]} {
    %mul3A = arith.constant 16 : i32
    %mul3A_0 = arith.muli %arg0, %mul3A : i32
    %add3A = arith.addi %mul3A_0, %arg1 : i32
    %broadcast_in_dim3A = arith.constant 0.000000e+00 : f32
    %broadcast_in_dim3A_1 = vector.broadcast %broadcast_in_dim3A : f32 to vector<16xf32>
    %scan3A = arith.constant 0 : i32
    %scan3A_2 = arith.constant 640 : i32
    %scan3A_3 = arith.addi %scan3A, %scan3A_2 : i32
    %scan3A_4 = arith.constant 8 : i32
    scf.for %scan3A_26 = %scan3A to %scan3A_3 step %scan3A_4  : i32 {
      %mul3A_27 = arith.constant 1 : i32
      %mul3A_28 = arith.muli %scan3A_26, %mul3A_27 : i32
      %add3A_29 = arith.constant 0 : i32
      %add3A_30 = arith.addi %add3A_29, %mul3A_28 : i32
      %swap3A = arith.index_cast %add3A_30 : i32 to index
      %swap3A_31 = arith.constant 0 : index
      %swap3A_32 = tpu.vector_load %arg12[%swap3A, %swap3A_31] {strides = array<i32>} : memref<640x32xf32, #tpu.memory_space<vmem>>, vector<1x16xf32>,
      %swap3A_33 = vector.shape_cast %swap3A_32 : vector<1x16xf32> to vector<16xf32>
      %swap3A_34 = vector.shape_cast %broadcast_in_dim3A_1 : vector<16xf32> to vector<1x16xf32>
      tpu.vector_store %arg12[%swap3A, %swap3A_31], %swap3A_34 {strides = array<i32>} : memref<640x32xf32, #tpu.memory_space<vmem>>, vector<1x16xf32>,
      %swap3A_35 = arith.index_cast %add3A_30 : i32 to index
      %swap3A_36 = arith.constant 16 : index
      %swap3A_37 = tpu.vector_load %arg12[%swap3A_35, %swap3A_36] {strides = array<i32>} : memref<640x32xf32, #tpu.memory_space<vmem>>, vector<1x16xf32>,
      %swap3A_38 = vector.shape_cast %swap3A_37 : vector<1x16xf32> to vector<16xf32>
      %swap3A_39 = vector.shape_cast %broadcast_in_dim3A_1 : vector<16xf32> to vector<1x16xf32>
      tpu.vector_store %arg12[%swap3A_35, %swap3A_36], %swap3A_39 {strides = array<i32>} : memref<640x32xf32, #tpu.memory_space<vmem>>, vector<1x16xf32>,
      %scan3A_40 = arith.constant 1 : i32
      %scan3A_41 = arith.addi %scan3A_26, %scan3A_40 : i32
      %mul3A_42 = arith.constant 1 : i32
      %mul3A_43 = arith.muli %scan3A_41, %mul3A_42 : i32
      %add3A_44 = arith.constant 0 : i32
      %add3A_45 = arith.addi %add3A_44, %mul3A_43 : i32
      %swap3A_46 = arith.index_cast %add3A_45 : i32 to index
      %swap3A_47 = arith.constant 0 : index
      %swap3A_48 = tpu.vector_load %arg12[%swap3A_46, %swap3A_47] {strides = array<i32>} : memref<640x32xf32, #tpu.memory_space<vmem>>, vector<1x16xf32>,
      %swap3A_49 = vector.shape_cast %swap3A_48 : vector<1x16xf32> to vector<16xf32>
      %swap3A_50 = vector.shape_cast %broadcast_in_dim3A_1 : vector<16xf32> to vector<1x16xf32>
      tpu.vector_store %arg12[%swap3A_46, %swap3A_47], %swap3A_50 {strides = array<i32>} : memref<640x32xf32, #tpu.memory_space<vmem>>, vector<1x16xf32>,
      %swap3A_51 = arith.index_cast %add3A_45 : i32 to index
      %swap3A_52 = arith.constant 16 : index
      %swap3A_53 = tpu.vector_load %arg12[%swap3A_51, %swap3A_52] {strides = array<i32>} : memref<640x32xf32, #tpu.memory_space<vmem>>, vector<1x16xf32>,
      %swap3A_54 = vector.shape_cast %swap3A_53 : vector<1x16xf32> to vector<16xf32>
      %swap3A_55 = vector.shape_cast %broadcast_in_dim3A_1 : vector<16xf32> to vector<1x16xf32>
      tpu.vector_store %arg12[%swap3A_51, %swap3A_52], %swap3A_55 {strides = array<i32>} : memref<640x32xf32, #tpu.memory_space<vmem>>, vector<1x16xf32>,
      %scan3A_56 = arith.constant 2 : i32
      %scan3A_57 = arith.addi %scan3A_26, %scan3A_56 : i32
      %mul3A_58 = arith.constant 1 : i32
      %mul3A_59 = arith.muli %scan3A_57, %mul3A_58 : i32
      %add3A_60 = arith.constant 0 : i32
      %add3A_61 = arith.addi %add3A_60, %mul3A_59 : i32
      %swap3A_62 = arith.index_cast %add3A_61 : i32 to index
      %swap3A_63 = arith.constant 0 : index
      %swap3A_64 = tpu.vector_load %arg12[%swap3A_62, %swap3A_63] {strides = array<i32>} : memref<640x32xf32, #tpu.memory_space<vmem>>, vector<1x16xf32>,
      %swap3A_65 = vector.shape_cast %swap3A_64 : vector<1x16xf32> to vector<16xf32>
      %swap3A_66 = vector.shape_cast %broadcast_in_dim3A_1 : vector<16xf32> to vector<1x16xf32>
      tpu.vector_store %arg12[%swap3A_62, %swap3A_63], %swap3A_66 {strides = array<i32>} : memref<640x32xf32, #tpu.memory_space<vmem>>, vector<1x16xf32>,
      %swap3A_67 = arith.index_cast %add3A_61 : i32 to index
      %swap3A_68 = arith.constant 16 : index
      %swap3A_69 = tpu.vector_load %arg12[%swap3A_67, %swap3A_68] {strides = array<i32>} : memref<640x32xf32, #tpu.memory_space<vmem>>, vector<1x16xf32>,
      %swap3A_70 = vector.shape_cast %swap3A_69 : vector<1x16xf32> to vector<16xf32>
      %swap3A_71 = vector.shape_cast %broadcast_in_dim3A_1 : vector<16xf32> to vector<1x16xf32>
      tpu.vector_store %arg12[%swap3A_67, %swap3A_68], %swap3A_71 {strides = array<i32>} : memref<640x32xf32, #tpu.memory_space<vmem>>, vector<1x16xf32>,
      %scan3A_72 = arith.constant 3 : i32
      %scan3A_73 = arith.addi %scan3A_26, %scan3A_72 : i32
      %mul3A_74 = arith.constant 1 : i32
      %mul3A_75 = arith.muli %scan3A_73, %mul3A_74 : i32
      %add3A_76 = arith.constant 0 : i32
      %add3A_77 = arith.addi %add3A_76, %mul3A_75 : i32
      %swap3A_78 = arith.index_cast %add3A_77 : i32 to index
      %swap3A_79 = arith.constant 0 : index
      %swap3A_80 = tpu.vector_load %arg12[%swap3A_78, %swap3A_79] {strides = array<i32>} : memref<640x32xf32, #tpu.memory_space<vmem>>, vector<1x16xf32>,
      %swap3A_81 = vector.shape_cast %swap3A_80 : vector<1x16xf32> to vector<16xf32>
      %swap3A_82 = vector.shape_cast %broadcast_in_dim3A_1 : vector<16xf32> to vector<1x16xf32>
      tpu.vector_store %arg12[%swap3A_78, %swap3A_79], %swap3A_82 {strides = array<i32>} : memref<640x32xf32, #tpu.memory_space<vmem>>, vector<1x16xf32>,
      %swap3A_83 = arith.index_cast %add3A_77 : i32 to index
      %swap3A_84 = arith.constant 16 : index
      %swap3A_85 = tpu.vector_load %arg12[%swap3A_83, %swap3A_84] {strides = array<i32>} : memref<640x32xf32, #tpu.memory_space<vmem>>, vector<1x16xf32>,
      %swap3A_86 = vector.shape_cast %swap3A_85 : vector<1x16xf32> to vector<16xf32>
      %swap3A_87 = vector.shape_cast %broadcast_in_dim3A_1 : vector<16xf32> to vector<1x16xf32>
      tpu.vector_store %arg12[%swap3A_83, %swap3A_84], %swap3A_87 {strides = array<i32>} : memref<640x32xf32, #tpu.memory_space<vmem>>, vector<1x16xf32>,
      %scan3A_88 = arith.constant 4 : i32
      %scan3A_89 = arith.addi %scan3A_26, %scan3A_88 : i32
      %mul3A_90 = arith.constant 1 : i32
      %mul3A_91 = arith.muli %scan3A_89, %mul3A_90 : i32
      %add3A_92 = arith.constant 0 : i32
      %add3A_93 = arith.addi %add3A_92, %mul3A_91 : i32
      %swap3A_94 = arith.index_cast %add3A_93 : i32 to index
      %swap3A_95 = arith.constant 0 : index
      %swap3A_96 = tpu.vector_load %arg12[%swap3A_94, %swap3A_95] {strides = array<i32>} : memref<640x32xf32, #tpu.memory_space<vmem>>, vector<1x16xf32>,
      %swap3A_97 = vector.shape_cast %swap3A_96 : vector<1x16xf32> to vector<16xf32>
      %swap3A_98 = vector.shape_cast %broadcast_in_dim3A_1 : vector<16xf32> to vector<1x16xf32>
      tpu.vector_store %arg12[%swap3A_94, %swap3A_95], %swap3A_98 {strides = array<i32>} : memref<640x32xf32, #tpu.memory_space<vmem>>, vector<1x16xf32>,
      %swap3A_99 = arith.index_cast %add3A_93 : i32 to index
      %swap3A_100 = arith.constant 16 : index
      %swap3A_101 = tpu.vector_load %arg12[%swap3A_99, %swap3A_100] {strides = array<i32>} : memref<640x32xf32, #tpu.memory_space<vmem>>, vector<1x16xf32>,
      %swap3A_102 = vector.shape_cast %swap3A_101 : vector<1x16xf32> to vector<16xf32>
      %swap3A_103 = vector.shape_cast %broadcast_in_dim3A_1 : vector<16xf32> to vector<1x16xf32>
      tpu.vector_store %arg12[%swap3A_99, %swap3A_100], %swap3A_103 {strides = array<i32>} : memref<640x32xf32, #tpu.memory_space<vmem>>, vector<1x16xf32>,
      %scan3A_104 = arith.constant 5 : i32
      %scan3A_105 = arith.addi %scan3A_26, %scan3A_104 : i32
      %mul3A_106 = arith.constant 1 : i32
      %mul3A_107 = arith.muli %scan3A_105, %mul3A_106 : i32
      %add3A_108 = arith.constant 0 : i32
      %add3A_109 = arith.addi %add3A_108, %mul3A_107 : i32
      %swap3A_110 = arith.index_cast %add3A_109 : i32 to index
      %swap3A_111 = arith.constant 0 : index
      %swap3A_112 = tpu.vector_load %arg12[%swap3A_110, %swap3A_111] {strides = array<i32>} : memref<640x32xf32, #tpu.memory_space<vmem>>, vector<1x16xf32>,
      %swap3A_113 = vector.shape_cast %swap3A_112 : vector<1x16xf32> to vector<16xf32>
      %swap3A_114 = vector.shape_cast %broadcast_in_dim3A_1 : vector<16xf32> to vector<1x16xf32>
      tpu.vector_store %arg12[%swap3A_110, %swap3A_111], %swap3A_114 {strides = array<i32>} : memref<640x32xf32, #tpu.memory_space<vmem>>, vector<1x16xf32>,
      %swap3A_115 = arith.index_cast %add3A_109 : i32 to index
      %swap3A_116 = arith.constant 16 : index
      %swap3A_117 = tpu.vector_load %arg12[%swap3A_115, %swap3A_116] {strides = array<i32>} : memref<640x32xf32, #tpu.memory_space<vmem>>, vector<1x16xf32>,
      %swap3A_118 = vector.shape_cast %swap3A_117 : vector<1x16xf32> to vector<16xf32>
      %swap3A_119 = vector.shape_cast %broadcast_in_dim3A_1 : vector<16xf32> to vector<1x16xf32>
      tpu.vector_store %arg12[%swap3A_115, %swap3A_116], %swap3A_119 {strides = array<i32>} : memref<640x32xf32, #tpu.memory_space<vmem>>, vector<1x16xf32>,
      %scan3A_120 = arith.constant 6 : i32
      %scan3A_121 = arith.addi %scan3A_26, %scan3A_120 : i32
      %mul3A_122 = arith.constant 1 : i32
      %mul3A_123 = arith.muli %scan3A_121, %mul3A_122 : i32
      %add3A_124 = arith.constant 0 : i32
      %add3A_125 = arith.addi %add3A_124, %mul3A_123 : i32
      %swap3A_126 = arith.index_cast %add3A_125 : i32 to index
      %swap3A_127 = arith.constant 0 : index
      %swap3A_128 = tpu.vector_load %arg12[%swap3A_126, %swap3A_127] {strides = array<i32>} : memref<640x32xf32, #tpu.memory_space<vmem>>, vector<1x16xf32>,
      %swap3A_129 = vector.shape_cast %swap3A_128 : vector<1x16xf32> to vector<16xf32>
      %swap3A_130 = vector.shape_cast %broadcast_in_dim3A_1 : vector<16xf32> to vector<1x16xf32>
      tpu.vector_store %arg12[%swap3A_126, %swap3A_127], %swap3A_130 {strides = array<i32>} : memref<640x32xf32, #tpu.memory_space<vmem>>, vector<1x16xf32>,
      %swap3A_131 = arith.index_cast %add3A_125 : i32 to index
      %swap3A_132 = arith.constant 16 : index
      %swap3A_133 = tpu.vector_load %arg12[%swap3A_131, %swap3A_132] {strides = array<i32>} : memref<640x32xf32, #tpu.memory_space<vmem>>, vector<1x16xf32>,
      %swap3A_134 = vector.shape_cast %swap3A_133 : vector<1x16xf32> to vector<16xf32>
      %swap3A_135 = vector.shape_cast %broadcast_in_dim3A_1 : vector<16xf32> to vector<1x16xf32>
      tpu.vector_store %arg12[%swap3A_131, %swap3A_132], %swap3A_135 {strides = array<i32>} : memref<640x32xf32, #tpu.memory_space<vmem>>, vector<1x16xf32>,
      %scan3A_136 = arith.constant 7 : i32
      %scan3A_137 = arith.addi %scan3A_26, %scan3A_136 : i32
      %mul3A_138 = arith.constant 1 : i32
      %mul3A_139 = arith.muli %scan3A_137, %mul3A_138 : i32
      %add3A_140 = arith.constant 0 : i32
      %add3A_141 = arith.addi %add3A_140, %mul3A_139 : i32
      %swap3A_142 = arith.index_cast %add3A_141 : i32 to index
      %swap3A_143 = arith.constant 0 : index
      %swap3A_144 = tpu.vector_load %arg12[%swap3A_142, %swap3A_143] {strides = array<i32>} : memref<640x32xf32, #tpu.memory_space<vmem>>, vector<1x16xf32>,
      %swap3A_145 = vector.shape_cast %swap3A_144 : vector<1x16xf32> to vector<16xf32>
      %swap3A_146 = vector.shape_cast %broadcast_in_dim3A_1 : vector<16xf32> to vector<1x16xf32>
      tpu.vector_store %arg12[%swap3A_142, %swap3A_143], %swap3A_146 {strides = array<i32>} : memref<640x32xf32, #tpu.memory_space<vmem>>, vector<1x16xf32>,
      %swap3A_147 = arith.index_cast %add3A_141 : i32 to index
      %swap3A_148 = arith.constant 16 : index
      %swap3A_149 = tpu.vector_load %arg12[%swap3A_147, %swap3A_148] {strides = array<i32>} : memref<640x32xf32, #tpu.memory_space<vmem>>, vector<1x16xf32>,
      %swap3A_150 = vector.shape_cast %swap3A_149 : vector<1x16xf32> to vector<16xf32>
      %swap3A_151 = vector.shape_cast %broadcast_in_dim3A_1 : vector<16xf32> to vector<1x16xf32>
      tpu.vector_store %arg12[%swap3A_147, %swap3A_148], %swap3A_151 {strides = array<i32>} : memref<640x32xf32, #tpu.memory_space<vmem>>, vector<1x16xf32>,
    }
    %scan3A_5 = arith.constant 640 : i32
    %mul3A_6 = arith.constant 80 : i32
    %mul3A_7 = arith.muli %add3A, %mul3A_6 : i32
    "tpu.region"() ({
      %run_scoped3A = tpu.sem_alloc : memref<!tpu.dma_semaphore, #tpu.memory_space<semaphore_mem>>
      %dma_start3A = arith.constant 0 : i32
      %dma_start3A_26 = tpu.memref_slice %arg3[%mul3A_7, %dma_start3A] : memref<2560x128xi32, #tpu.memory_space<hbm>> -> memref<80x128xi32, #tpu.memory_space<hbm>>
      %dma_start3A_27 = arith.constant 0 : i32
      %dma_start3A_28 = tpu.memref_slice %arg3[%mul3A_7, %dma_start3A_27] : memref<2560x128xi32, #tpu.memory_space<hbm>> -> memref<80x128xi32, #tpu.memory_space<hbm>>
      tpu.enqueue_dma source(%dma_start3A_28 : memref<80x128xi32, #tpu.memory_space<hbm>>) target(%arg6 : memref<80x128xi32, #tpu.memory_space<vmem>>) target_semaphore(%run_scoped3A : memref<!tpu.dma_semaphore, #tpu.memory_space<semaphore_mem>>)
      %dma_wait3A = arith.constant 0 : i32
      %dma_wait3A_29 = tpu.memref_slice %arg3[%mul3A_7, %dma_wait3A] : memref<2560x128xi32, #tpu.memory_space<hbm>> -> memref<80x128xi32, #tpu.memory_space<hbm>>
      %dma_wait3A_30 = arith.constant 0 : i32
      %dma_wait3A_31 = tpu.memref_slice %arg3[%mul3A_7, %dma_wait3A_30] : memref<2560x128xi32, #tpu.memory_space<hbm>> -> memref<80x128xi32, #tpu.memory_space<hbm>>
      tpu.wait_dma2 semaphore(%run_scoped3A : memref<!tpu.dma_semaphore, #tpu.memory_space<semaphore_mem>>) src(%dma_wait3A_31 : memref<80x128xi32, #tpu.memory_space<hbm>>) dst(%arg6 : memref<80x128xi32, #tpu.memory_space<vmem>>)
      tpu.yield
    }) : () -> ()
    %mul3A_8 = arith.constant 80 : i32
    %mul3A_9 = arith.muli %add3A, %mul3A_8 : i32
    "tpu.region"() ({
      %run_scoped3A = tpu.sem_alloc : memref<!tpu.dma_semaphore, #tpu.memory_space<semaphore_mem>>
      %dma_start3A = arith.constant 0 : i32
      %dma_start3A_26 = tpu.memref_slice %arg4[%mul3A_9, %dma_start3A] : memref<2560x128xi32, #tpu.memory_space<hbm>> -> memref<80x128xi32, #tpu.memory_space<hbm>>
      %dma_start3A_27 = arith.constant 0 : i32
      %dma_start3A_28 = tpu.memref_slice %arg4[%mul3A_9, %dma_start3A_27] : memref<2560x128xi32, #tpu.memory_space<hbm>> -> memref<80x128xi32, #tpu.memory_space<hbm>>
      tpu.enqueue_dma source(%dma_start3A_28 : memref<80x128xi32, #tpu.memory_space<hbm>>) target(%arg7 : memref<80x128xi32, #tpu.memory_space<vmem>>) target_semaphore(%run_scoped3A : memref<!tpu.dma_semaphore, #tpu.memory_space<semaphore_mem>>)
      %dma_wait3A = arith.constant 0 : i32
      %dma_wait3A_29 = tpu.memref_slice %arg4[%mul3A_9, %dma_wait3A] : memref<2560x128xi32, #tpu.memory_space<hbm>> -> memref<80x128xi32, #tpu.memory_space<hbm>>
      %dma_wait3A_30 = arith.constant 0 : i32
      %dma_wait3A_31 = tpu.memref_slice %arg4[%mul3A_9, %dma_wait3A_30] : memref<2560x128xi32, #tpu.memory_space<hbm>> -> memref<80x128xi32, #tpu.memory_space<hbm>>
      tpu.wait_dma2 semaphore(%run_scoped3A : memref<!tpu.dma_semaphore, #tpu.memory_space<semaphore_mem>>) src(%dma_wait3A_31 : memref<80x128xi32, #tpu.memory_space<hbm>>) dst(%arg7 : memref<80x128xi32, #tpu.memory_space<vmem>>)
      tpu.yield
    }) : () -> ()
    %mul3A_10 = arith.constant 640 : i32
    %mul3A_11 = arith.muli %arg1, %mul3A_10 : i32
    "tpu.region"() ({
      %run_scoped3A = tpu.sem_alloc : memref<!tpu.dma_semaphore, #tpu.memory_space<semaphore_mem>>
      %dma_start3A = arith.constant 0 : i32
      %dma_start3A_26 = tpu.memref_slice %arg13[%mul3A_11, %dma_start3A] : memref<10240x32xf32, #tpu.memory_space<vmem_shared>> -> memref<640x32xf32, #tpu.memory_space<vmem_shared>>
      %dma_start3A_27 = arith.constant 0 : i32
      %dma_start3A_28 = tpu.memref_slice %arg13[%mul3A_11, %dma_start3A_27] : memref<10240x32xf32, #tpu.memory_space<vmem_shared>> -> memref<640x32xf32, #tpu.memory_space<vmem_shared>>
      tpu.enqueue_dma source(%arg12 : memref<640x32xf32, #tpu.memory_space<vmem>>) target(%dma_start3A_28 : memref<640x32xf32, #tpu.memory_space<vmem_shared>>) target_semaphore(%run_scoped3A : memref<!tpu.dma_semaphore, #tpu.memory_space<semaphore_mem>>)
      %dma_wait3A = arith.constant 0 : i32
      %dma_wait3A_29 = tpu.memref_slice %arg13[%mul3A_11, %dma_wait3A] : memref<10240x32xf32, #tpu.memory_space<vmem_shared>> -> memref<640x32xf32, #tpu.memory_space<vmem_shared>>
      %dma_wait3A_30 = arith.constant 0 : i32
      %dma_wait3A_31 = tpu.memref_slice %arg13[%mul3A_11, %dma_wait3A_30] : memref<10240x32xf32, #tpu.memory_space<vmem_shared>> -> memref<640x32xf32, #tpu.memory_space<vmem_shared>>
      tpu.wait_dma2 semaphore(%run_scoped3A : memref<!tpu.dma_semaphore, #tpu.memory_space<semaphore_mem>>) src(%arg12 : memref<640x32xf32, #tpu.memory_space<vmem>>) dst(%dma_wait3A_31 : memref<640x32xf32, #tpu.memory_space<vmem_shared>>)
      tpu.yield
    }) : () -> ()
    %mul3A_12 = arith.constant 640 : i32
    %mul3A_13 = arith.muli %arg1, %mul3A_12 : i32
    %mul3A_14 = arith.constant 640 : i32
    %mul3A_15 = arith.muli %arg1, %mul3A_14 : i32
    "tpu.region"() ({
      %run_scoped3A = tpu.sem_alloc : memref<!tpu.dma_semaphore, #tpu.memory_space<semaphore_mem>>
      %dma_start3A = arith.constant 0 : i32
      %dma_start3A_26 = tpu.memref_slice %arg14[%mul3A_15, %dma_start3A] : memref<10240x32xf32, #tpu.memory_space<vmem_shared>> -> memref<640x32xf32, #tpu.memory_space<vmem_shared>>
      %dma_start3A_27 = arith.constant 0 : i32
      %dma_start3A_28 = tpu.memref_slice %arg2[%mul3A_13, %dma_start3A_27] : memref<10240x32xf32, #tpu.memory_space<hbm>> -> memref<640x32xf32, #tpu.memory_space<hbm>>
      tpu.enqueue_dma source(%dma_start3A_28 : memref<640x32xf32, #tpu.memory_space<hbm>>) target(%dma_start3A_26 : memref<640x32xf32, #tpu.memory_space<vmem_shared>>) target_semaphore(%run_scoped3A : memref<!tpu.dma_semaphore, #tpu.memory_space<semaphore_mem>>)
      %dma_wait3A = arith.constant 0 : i32
      %dma_wait3A_29 = tpu.memref_slice %arg14[%mul3A_15, %dma_wait3A] : memref<10240x32xf32, #tpu.memory_space<vmem_shared>> -> memref<640x32xf32, #tpu.memory_space<vmem_shared>>
      %dma_wait3A_30 = arith.constant 0 : i32
      %dma_wait3A_31 = tpu.memref_slice %arg2[%mul3A_13, %dma_wait3A_30] : memref<10240x32xf32, #tpu.memory_space<hbm>> -> memref<640x32xf32, #tpu.memory_space<hbm>>
      tpu.wait_dma2 semaphore(%run_scoped3A : memref<!tpu.dma_semaphore, #tpu.memory_space<semaphore_mem>>) src(%dma_wait3A_31 : memref<640x32xf32, #tpu.memory_space<hbm>>) dst(%dma_wait3A_29 : memref<640x32xf32, #tpu.memory_space<vmem_shared>>)
      tpu.yield
    }) : () -> ()
    %barrier3A = arith.constant 0 : index
    tpu.barrier barrier_id(%barrier3A)
    %scan3A_16 = arith.constant 0 : i32
    %scan3A_17 = arith.constant 20 : i32
    %scan3A_18 = arith.addi %scan3A_16, %scan3A_17 : i32
    %scan3A_19 = arith.constant 1 : i32
    scf.for %scan3A_26 = %scan3A_16 to %scan3A_18 step %scan3A_19  : i32 {
      %mul3A_27 = arith.constant 1 : i32
      %mul3A_28 = arith.muli %scan3A_26, %mul3A_27 : i32
      %add3A_29 = arith.constant 0 : i32
      %add3A_30 = arith.addi %add3A_29, %mul3A_28 : i32
      %mul3A_31 = arith.constant 4 : i32
      %mul3A_32 = arith.muli %add3A_30, %mul3A_31 : i32
      %add3A_33 = arith.constant 0 : i32
      %add3A_34 = arith.addi %mul3A_32, %add3A_33 : i32
      %dma_start3A = arith.constant 0 : i32
      %dma_start3A_35 = tpu.memref_slice %arg6[%add3A_34, %dma_start3A] : memref<80x128xi32, #tpu.memory_space<vmem>> -> memref<1x128xi32, #tpu.memory_space<vmem>>
      %dma_start3A_36 = tpu.memref_squeeze %dma_start3A_35 : memref<1x128xi32, #tpu.memory_space<vmem>> -> memref<128xi32, #tpu.memory_space<vmem>>
      %dma_start3A_37 = arith.constant 0 : i32
      %dma_start3A_38 = arith.constant 0 : i32
      %dma_start3A_39 = tpu.memref_slice %arg14[%dma_start3A_37, %dma_start3A_38] : memref<10240x32xf32, #tpu.memory_space<vmem_shared>> -> memref<10240x32xf32, #tpu.memory_space<vmem_shared>>
      tpu.enqueue_indirect_dma source(%dma_start3A_39 : memref<10240x32xf32, #tpu.memory_space<vmem_shared>>) target(%arg8 : memref<128x32xf32, #tpu.memory_space<vmem>>) offsets(%dma_start3A_36 : memref<128xi32, #tpu.memory_space<vmem>>) semaphore(%arg15 : memref<!tpu.dma_semaphore, #tpu.memory_space<semaphore_mem>>)
      %add3A_40 = arith.constant 1 : i32
      %add3A_41 = arith.addi %mul3A_32, %add3A_40 : i32
      %dma_start3A_42 = arith.constant 0 : i32
      %dma_start3A_43 = tpu.memref_slice %arg6[%add3A_41, %dma_start3A_42] : memref<80x128xi32, #tpu.memory_space<vmem>> -> memref<1x128xi32, #tpu.memory_space<vmem>>
      %dma_start3A_44 = tpu.memref_squeeze %dma_start3A_43 : memref<1x128xi32, #tpu.memory_space<vmem>> -> memref<128xi32, #tpu.memory_space<vmem>>
      %dma_start3A_45 = arith.constant 0 : i32
      %dma_start3A_46 = arith.constant 0 : i32
      %dma_start3A_47 = tpu.memref_slice %arg14[%dma_start3A_45, %dma_start3A_46] : memref<10240x32xf32, #tpu.memory_space<vmem_shared>> -> memref<10240x32xf32, #tpu.memory_space<vmem_shared>>
      tpu.enqueue_indirect_dma source(%dma_start3A_47 : memref<10240x32xf32, #tpu.memory_space<vmem_shared>>) target(%arg9 : memref<128x32xf32, #tpu.memory_space<vmem>>) offsets(%dma_start3A_44 : memref<128xi32, #tpu.memory_space<vmem>>) semaphore(%arg16 : memref<!tpu.dma_semaphore, #tpu.memory_space<semaphore_mem>>)
      %add3A_48 = arith.constant 2 : i32
      %add3A_49 = arith.addi %mul3A_32, %add3A_48 : i32
      %dma_start3A_50 = arith.constant 0 : i32
      %dma_start3A_51 = tpu.memref_slice %arg6[%add3A_49, %dma_start3A_50] : memref<80x128xi32, #tpu.memory_space<vmem>> -> memref<1x128xi32, #tpu.memory_space<vmem>>
      %dma_start3A_52 = tpu.memref_squeeze %dma_start3A_51 : memref<1x128xi32, #tpu.memory_space<vmem>> -> memref<128xi32, #tpu.memory_space<vmem>>
      %dma_start3A_53 = arith.constant 0 : i32
      %dma_start3A_54 = arith.constant 0 : i32
      %dma_start3A_55 = tpu.memref_slice %arg14[%dma_start3A_53, %dma_start3A_54] : memref<10240x32xf32, #tpu.memory_space<vmem_shared>> -> memref<10240x32xf32, #tpu.memory_space<vmem_shared>>
      tpu.enqueue_indirect_dma source(%dma_start3A_55 : memref<10240x32xf32, #tpu.memory_space<vmem_shared>>) target(%arg10 : memref<128x32xf32, #tpu.memory_space<vmem>>) offsets(%dma_start3A_52 : memref<128xi32, #tpu.memory_space<vmem>>) semaphore(%arg17 : memref<!tpu.dma_semaphore, #tpu.memory_space<semaphore_mem>>)
      %add3A_56 = arith.constant 3 : i32
      %add3A_57 = arith.addi %mul3A_32, %add3A_56 : i32
      %dma_start3A_58 = arith.constant 0 : i32
      %dma_start3A_59 = tpu.memref_slice %arg6[%add3A_57, %dma_start3A_58] : memref<80x128xi32, #tpu.memory_space<vmem>> -> memref<1x128xi32, #tpu.memory_space<vmem>>
      %dma_start3A_60 = tpu.memref_squeeze %dma_start3A_59 : memref<1x128xi32, #tpu.memory_space<vmem>> -> memref<128xi32, #tpu.memory_space<vmem>>
      %dma_start3A_61 = arith.constant 0 : i32
      %dma_start3A_62 = arith.constant 0 : i32
      %dma_start3A_63 = tpu.memref_slice %arg14[%dma_start3A_61, %dma_start3A_62] : memref<10240x32xf32, #tpu.memory_space<vmem_shared>> -> memref<10240x32xf32, #tpu.memory_space<vmem_shared>>
      tpu.enqueue_indirect_dma source(%dma_start3A_63 : memref<10240x32xf32, #tpu.memory_space<vmem_shared>>) target(%arg11 : memref<128x32xf32, #tpu.memory_space<vmem>>) offsets(%dma_start3A_60 : memref<128xi32, #tpu.memory_space<vmem>>) semaphore(%arg18 : memref<!tpu.dma_semaphore, #tpu.memory_space<semaphore_mem>>)
      %dma_wait3A = arith.constant 0 : i32
      %dma_wait3A_64 = tpu.memref_slice %arg6[%add3A_34, %dma_wait3A] : memref<80x128xi32, #tpu.memory_space<vmem>> -> memref<1x128xi32, #tpu.memory_space<vmem>>
      %dma_wait3A_65 = tpu.memref_squeeze %dma_wait3A_64 : memref<1x128xi32, #tpu.memory_space<vmem>> -> memref<128xi32, #tpu.memory_space<vmem>>
      %dma_wait3A_66 = arith.constant 0 : i32
      %dma_wait3A_67 = arith.constant 0 : i32
      %dma_wait3A_68 = tpu.memref_slice %arg14[%dma_wait3A_66, %dma_wait3A_67] : memref<10240x32xf32, #tpu.memory_space<vmem_shared>> -> memref<10240x32xf32, #tpu.memory_space<vmem_shared>>
      tpu.wait_indirect_dma semaphore(%arg15 : memref<!tpu.dma_semaphore, #tpu.memory_space<semaphore_mem>>) src(%dma_wait3A_68 : memref<10240x32xf32, #tpu.memory_space<vmem_shared>>) dst(%arg8 : memref<128x32xf32, #tpu.memory_space<vmem>>)
      %add3A_69 = arith.constant 0 : i32
      %add3A_70 = arith.addi %mul3A_32, %add3A_69 : i32
      %dma_start3A_71 = arith.constant 0 : i32
      %dma_start3A_72 = tpu.memref_slice %arg7[%add3A_70, %dma_start3A_71] : memref<80x128xi32, #tpu.memory_space<vmem>> -> memref<1x128xi32, #tpu.memory_space<vmem>>
      %dma_start3A_73 = tpu.memref_squeeze %dma_start3A_72 : memref<1x128xi32, #tpu.memory_space<vmem>> -> memref<128xi32, #tpu.memory_space<vmem>>
      %dma_start3A_74 = arith.constant 0 : i32
      %dma_start3A_75 = arith.constant 0 : i32
      %dma_start3A_76 = tpu.memref_slice %arg13[%dma_start3A_74, %dma_start3A_75] : memref<10240x32xf32, #tpu.memory_space<vmem_shared>> -> memref<10240x32xf32, #tpu.memory_space<vmem_shared>>
      tpu.enqueue_indirect_dma source(%arg8 : memref<128x32xf32, #tpu.memory_space<vmem>>) target(%dma_start3A_76 : memref<10240x32xf32, #tpu.memory_space<vmem_shared>>) offsets(%dma_start3A_73 : memref<128xi32, #tpu.memory_space<vmem>>) semaphore(%arg19 : memref<!tpu.dma_semaphore, #tpu.memory_space<semaphore_mem>>) {add = true}
      %dma_wait3A_77 = arith.constant 0 : i32
      %dma_wait3A_78 = tpu.memref_slice %arg6[%add3A_41, %dma_wait3A_77] : memref<80x128xi32, #tpu.memory_space<vmem>> -> memref<1x128xi32, #tpu.memory_space<vmem>>
      %dma_wait3A_79 = tpu.memref_squeeze %dma_wait3A_78 : memref<1x128xi32, #tpu.memory_space<vmem>> -> memref<128xi32, #tpu.memory_space<vmem>>
      %dma_wait3A_80 = arith.constant 0 : i32
      %dma_wait3A_81 = arith.constant 0 : i32
      %dma_wait3A_82 = tpu.memref_slice %arg14[%dma_wait3A_80, %dma_wait3A_81] : memref<10240x32xf32, #tpu.memory_space<vmem_shared>> -> memref<10240x32xf32, #tpu.memory_space<vmem_shared>>
      tpu.wait_indirect_dma semaphore(%arg16 : memref<!tpu.dma_semaphore, #tpu.memory_space<semaphore_mem>>) src(%dma_wait3A_82 : memref<10240x32xf32, #tpu.memory_space<vmem_shared>>) dst(%arg9 : memref<128x32xf32, #tpu.memory_space<vmem>>)
      %add3A_83 = arith.constant 1 : i32
      %add3A_84 = arith.addi %mul3A_32, %add3A_83 : i32
      %dma_start3A_85 = arith.constant 0 : i32
      %dma_start3A_86 = tpu.memref_slice %arg7[%add3A_84, %dma_start3A_85] : memref<80x128xi32, #tpu.memory_space<vmem>> -> memref<1x128xi32, #tpu.memory_space<vmem>>
      %dma_start3A_87 = tpu.memref_squeeze %dma_start3A_86 : memref<1x128xi32, #tpu.memory_space<vmem>> -> memref<128xi32, #tpu.memory_space<vmem>>
      %dma_start3A_88 = arith.constant 0 : i32
      %dma_start3A_89 = arith.constant 0 : i32
      %dma_start3A_90 = tpu.memref_slice %arg13[%dma_start3A_88, %dma_start3A_89] : memref<10240x32xf32, #tpu.memory_space<vmem_shared>> -> memref<10240x32xf32, #tpu.memory_space<vmem_shared>>
      tpu.enqueue_indirect_dma source(%arg9 : memref<128x32xf32, #tpu.memory_space<vmem>>) target(%dma_start3A_90 : memref<10240x32xf32, #tpu.memory_space<vmem_shared>>) offsets(%dma_start3A_87 : memref<128xi32, #tpu.memory_space<vmem>>) semaphore(%arg20 : memref<!tpu.dma_semaphore, #tpu.memory_space<semaphore_mem>>) {add = true}
      %dma_wait3A_91 = arith.constant 0 : i32
      %dma_wait3A_92 = tpu.memref_slice %arg6[%add3A_49, %dma_wait3A_91] : memref<80x128xi32, #tpu.memory_space<vmem>> -> memref<1x128xi32, #tpu.memory_space<vmem>>
      %dma_wait3A_93 = tpu.memref_squeeze %dma_wait3A_92 : memref<1x128xi32, #tpu.memory_space<vmem>> -> memref<128xi32, #tpu.memory_space<vmem>>
      %dma_wait3A_94 = arith.constant 0 : i32
      %dma_wait3A_95 = arith.constant 0 : i32
      %dma_wait3A_96 = tpu.memref_slice %arg14[%dma_wait3A_94, %dma_wait3A_95] : memref<10240x32xf32, #tpu.memory_space<vmem_shared>> -> memref<10240x32xf32, #tpu.memory_space<vmem_shared>>
      tpu.wait_indirect_dma semaphore(%arg17 : memref<!tpu.dma_semaphore, #tpu.memory_space<semaphore_mem>>) src(%dma_wait3A_96 : memref<10240x32xf32, #tpu.memory_space<vmem_shared>>) dst(%arg10 : memref<128x32xf32, #tpu.memory_space<vmem>>)
      %add3A_97 = arith.constant 2 : i32
      %add3A_98 = arith.addi %mul3A_32, %add3A_97 : i32
      %dma_start3A_99 = arith.constant 0 : i32
      %dma_start3A_100 = tpu.memref_slice %arg7[%add3A_98, %dma_start3A_99] : memref<80x128xi32, #tpu.memory_space<vmem>> -> memref<1x128xi32, #tpu.memory_space<vmem>>
      %dma_start3A_101 = tpu.memref_squeeze %dma_start3A_100 : memref<1x128xi32, #tpu.memory_space<vmem>> -> memref<128xi32, #tpu.memory_space<vmem>>
      %dma_start3A_102 = arith.constant 0 : i32
      %dma_start3A_103 = arith.constant 0 : i32
      %dma_start3A_104 = tpu.memref_slice %arg13[%dma_start3A_102, %dma_start3A_103] : memref<10240x32xf32, #tpu.memory_space<vmem_shared>> -> memref<10240x32xf32, #tpu.memory_space<vmem_shared>>
      tpu.enqueue_indirect_dma source(%arg10 : memref<128x32xf32, #tpu.memory_space<vmem>>) target(%dma_start3A_104 : memref<10240x32xf32, #tpu.memory_space<vmem_shared>>) offsets(%dma_start3A_101 : memref<128xi32, #tpu.memory_space<vmem>>) semaphore(%arg21 : memref<!tpu.dma_semaphore, #tpu.memory_space<semaphore_mem>>) {add = true}
      %dma_wait3A_105 = arith.constant 0 : i32
      %dma_wait3A_106 = tpu.memref_slice %arg6[%add3A_57, %dma_wait3A_105] : memref<80x128xi32, #tpu.memory_space<vmem>> -> memref<1x128xi32, #tpu.memory_space<vmem>>
      %dma_wait3A_107 = tpu.memref_squeeze %dma_wait3A_106 : memref<1x128xi32, #tpu.memory_space<vmem>> -> memref<128xi32, #tpu.memory_space<vmem>>
      %dma_wait3A_108 = arith.constant 0 : i32
      %dma_wait3A_109 = arith.constant 0 : i32
      %dma_wait3A_110 = tpu.memref_slice %arg14[%dma_wait3A_108, %dma_wait3A_109] : memref<10240x32xf32, #tpu.memory_space<vmem_shared>> -> memref<10240x32xf32, #tpu.memory_space<vmem_shared>>
      tpu.wait_indirect_dma semaphore(%arg18 : memref<!tpu.dma_semaphore, #tpu.memory_space<semaphore_mem>>) src(%dma_wait3A_110 : memref<10240x32xf32, #tpu.memory_space<vmem_shared>>) dst(%arg11 : memref<128x32xf32, #tpu.memory_space<vmem>>)
      %add3A_111 = arith.constant 3 : i32
      %add3A_112 = arith.addi %mul3A_32, %add3A_111 : i32
      %dma_start3A_113 = arith.constant 0 : i32
      %dma_start3A_114 = tpu.memref_slice %arg7[%add3A_112, %dma_start3A_113] : memref<80x128xi32, #tpu.memory_space<vmem>> -> memref<1x128xi32, #tpu.memory_space<vmem>>
      %dma_start3A_115 = tpu.memref_squeeze %dma_start3A_114 : memref<1x128xi32, #tpu.memory_space<vmem>> -> memref<128xi32, #tpu.memory_space<vmem>>
      %dma_start3A_116 = arith.constant 0 : i32
      %dma_start3A_117 = arith.constant 0 : i32
      %dma_start3A_118 = tpu.memref_slice %arg13[%dma_start3A_116, %dma_start3A_117] : memref<10240x32xf32, #tpu.memory_space<vmem_shared>> -> memref<10240x32xf32, #tpu.memory_space<vmem_shared>>
      tpu.enqueue_indirect_dma source(%arg11 : memref<128x32xf32, #tpu.memory_space<vmem>>) target(%dma_start3A_118 : memref<10240x32xf32, #tpu.memory_space<vmem_shared>>) offsets(%dma_start3A_115 : memref<128xi32, #tpu.memory_space<vmem>>) semaphore(%arg22 : memref<!tpu.dma_semaphore, #tpu.memory_space<semaphore_mem>>) {add = true}
      %dma_wait3A_119 = arith.constant 0 : i32
      %dma_wait3A_120 = tpu.memref_slice %arg7[%add3A_70, %dma_wait3A_119] : memref<80x128xi32, #tpu.memory_space<vmem>> -> memref<1x128xi32, #tpu.memory_space<vmem>>
      %dma_wait3A_121 = tpu.memref_squeeze %dma_wait3A_120 : memref<1x128xi32, #tpu.memory_space<vmem>> -> memref<128xi32, #tpu.memory_space<vmem>>
      %dma_wait3A_122 = arith.constant 0 : i32
      %dma_wait3A_123 = arith.constant 0 : i32
      %dma_wait3A_124 = tpu.memref_slice %arg13[%dma_wait3A_122, %dma_wait3A_123] : memref<10240x32xf32, #tpu.memory_space<vmem_shared>> -> memref<10240x32xf32, #tpu.memory_space<vmem_shared>>
      tpu.wait_indirect_dma semaphore(%arg19 : memref<!tpu.dma_semaphore, #tpu.memory_space<semaphore_mem>>) src(%arg8 : memref<128x32xf32, #tpu.memory_space<vmem>>) dst(%dma_wait3A_124 : memref<10240x32xf32, #tpu.memory_space<vmem_shared>>)
      %dma_wait3A_125 = arith.constant 0 : i32
      %dma_wait3A_126 = tpu.memref_slice %arg7[%add3A_84, %dma_wait3A_125] : memref<80x128xi32, #tpu.memory_space<vmem>> -> memref<1x128xi32, #tpu.memory_space<vmem>>
      %dma_wait3A_127 = tpu.memref_squeeze %dma_wait3A_126 : memref<1x128xi32, #tpu.memory_space<vmem>> -> memref<128xi32, #tpu.memory_space<vmem>>
      %dma_wait3A_128 = arith.constant 0 : i32
      %dma_wait3A_129 = arith.constant 0 : i32
      %dma_wait3A_130 = tpu.memref_slice %arg13[%dma_wait3A_128, %dma_wait3A_129] : memref<10240x32xf32, #tpu.memory_space<vmem_shared>> -> memref<10240x32xf32, #tpu.memory_space<vmem_shared>>
      tpu.wait_indirect_dma semaphore(%arg20 : memref<!tpu.dma_semaphore, #tpu.memory_space<semaphore_mem>>) src(%arg9 : memref<128x32xf32, #tpu.memory_space<vmem>>) dst(%dma_wait3A_130 : memref<10240x32xf32, #tpu.memory_space<vmem_shared>>)
      %dma_wait3A_131 = arith.constant 0 : i32
      %dma_wait3A_132 = tpu.memref_slice %arg7[%add3A_98, %dma_wait3A_131] : memref<80x128xi32, #tpu.memory_space<vmem>> -> memref<1x128xi32, #tpu.memory_space<vmem>>
      %dma_wait3A_133 = tpu.memref_squeeze %dma_wait3A_132 : memref<1x128xi32, #tpu.memory_space<vmem>> -> memref<128xi32, #tpu.memory_space<vmem>>
      %dma_wait3A_134 = arith.constant 0 : i32
      %dma_wait3A_135 = arith.constant 0 : i32
      %dma_wait3A_136 = tpu.memref_slice %arg13[%dma_wait3A_134, %dma_wait3A_135] : memref<10240x32xf32, #tpu.memory_space<vmem_shared>> -> memref<10240x32xf32, #tpu.memory_space<vmem_shared>>
      tpu.wait_indirect_dma semaphore(%arg21 : memref<!tpu.dma_semaphore, #tpu.memory_space<semaphore_mem>>) src(%arg10 : memref<128x32xf32, #tpu.memory_space<vmem>>) dst(%dma_wait3A_136 : memref<10240x32xf32, #tpu.memory_space<vmem_shared>>)
      %dma_wait3A_137 = arith.constant 0 : i32
      %dma_wait3A_138 = tpu.memref_slice %arg7[%add3A_112, %dma_wait3A_137] : memref<80x128xi32, #tpu.memory_space<vmem>> -> memref<1x128xi32, #tpu.memory_space<vmem>>
      %dma_wait3A_139 = tpu.memref_squeeze %dma_wait3A_138 : memref<1x128xi32, #tpu.memory_space<vmem>> -> memref<128xi32, #tpu.memory_space<vmem>>
      %dma_wait3A_140 = arith.constant 0 : i32
      %dma_wait3A_141 = arith.constant 0 : i32
      %dma_wait3A_142 = tpu.memref_slice %arg13[%dma_wait3A_140, %dma_wait3A_141] : memref<10240x32xf32, #tpu.memory_space<vmem_shared>> -> memref<10240x32xf32, #tpu.memory_space<vmem_shared>>
      tpu.wait_indirect_dma semaphore(%arg22 : memref<!tpu.dma_semaphore, #tpu.memory_space<semaphore_mem>>) src(%arg11 : memref<128x32xf32, #tpu.memory_space<vmem>>) dst(%dma_wait3A_142 : memref<10240x32xf32, #tpu.memory_space<vmem_shared>>)
    }
    %scan3A_20 = arith.constant 20 : i32
    %barrier3A_21 = arith.constant 0 : index
    tpu.barrier barrier_id(%barrier3A_21)
    %mul3A_22 = arith.constant 640 : i32
    %mul3A_23 = arith.muli %arg1, %mul3A_22 : i32
    "tpu.region"() ({
      %run_scoped3A = tpu.sem_alloc : memref<!tpu.dma_semaphore, #tpu.memory_space<semaphore_mem>>
      %dma_start3A = arith.constant 0 : i32
      %dma_start3A_26 = tpu.memref_slice %arg13[%mul3A_23, %dma_start3A] : memref<10240x32xf32, #tpu.memory_space<vmem_shared>> -> memref<640x32xf32, #tpu.memory_space<vmem_shared>>
      %dma_start3A_27 = arith.constant 0 : i32
      %dma_start3A_28 = tpu.memref_slice %arg13[%mul3A_23, %dma_start3A_27] : memref<10240x32xf32, #tpu.memory_space<vmem_shared>> -> memref<640x32xf32, #tpu.memory_space<vmem_shared>>
      tpu.enqueue_dma source(%dma_start3A_28 : memref<640x32xf32, #tpu.memory_space<vmem_shared>>) target(%arg12 : memref<640x32xf32, #tpu.memory_space<vmem>>) target_semaphore(%run_scoped3A : memref<!tpu.dma_semaphore, #tpu.memory_space<semaphore_mem>>)
      %dma_wait3A = arith.constant 0 : i32
      %dma_wait3A_29 = tpu.memref_slice %arg13[%mul3A_23, %dma_wait3A] : memref<10240x32xf32, #tpu.memory_space<vmem_shared>> -> memref<640x32xf32, #tpu.memory_space<vmem_shared>>
      %dma_wait3A_30 = arith.constant 0 : i32
      %dma_wait3A_31 = tpu.memref_slice %arg13[%mul3A_23, %dma_wait3A_30] : memref<10240x32xf32, #tpu.memory_space<vmem_shared>> -> memref<640x32xf32, #tpu.memory_space<vmem_shared>>
      tpu.wait_dma2 semaphore(%run_scoped3A : memref<!tpu.dma_semaphore, #tpu.memory_space<semaphore_mem>>) src(%dma_wait3A_31 : memref<640x32xf32, #tpu.memory_space<vmem_shared>>) dst(%arg12 : memref<640x32xf32, #tpu.memory_space<vmem>>)
      tpu.yield
    }) : () -> ()
    %mul3A_24 = arith.constant 640 : i32
    %mul3A_25 = arith.muli %arg1, %mul3A_24 : i32
    "tpu.region"() ({
      %run_scoped3A = tpu.sem_alloc : memref<!tpu.dma_semaphore, #tpu.memory_space<semaphore_mem>>
      %dma_start3A = arith.constant 0 : i32
      %dma_start3A_26 = tpu.memref_slice %arg5[%arg0, %mul3A_25, %dma_start3A] : memref<2x10240x32xf32, #tpu.memory_space<hbm>> -> memref<1x640x32xf32, #tpu.memory_space<hbm>>
      %dma_start3A_27 = tpu.memref_squeeze %dma_start3A_26 : memref<1x640x32xf32, #tpu.memory_space<hbm>> -> memref<640x32xf32, #tpu.memory_space<hbm>>
      %dma_start3A_28 = arith.constant 0 : i32
      %dma_start3A_29 = tpu.memref_slice %arg5[%arg0, %mul3A_25, %dma_start3A_28] : memref<2x10240x32xf32, #tpu.memory_space<hbm>> -> memref<1x640x32xf32, #tpu.memory_space<hbm>>
      %dma_start3A_30 = tpu.memref_squeeze %dma_start3A_29 : memref<1x640x32xf32, #tpu.memory_space<hbm>> -> memref<640x32xf32, #tpu.memory_space<hbm>>
      tpu.enqueue_dma source(%arg12 : memref<640x32xf32, #tpu.memory_space<vmem>>) target(%dma_start3A_30 : memref<640x32xf32, #tpu.memory_space<hbm>>) target_semaphore(%run_scoped3A : memref<!tpu.dma_semaphore, #tpu.memory_space<semaphore_mem>>)
      %dma_wait3A = arith.constant 0 : i32
      %dma_wait3A_31 = tpu.memref_slice %arg5[%arg0, %mul3A_25, %dma_wait3A] : memref<2x10240x32xf32, #tpu.memory_space<hbm>> -> memref<1x640x32xf32, #tpu.memory_space<hbm>>
      %dma_wait3A_32 = tpu.memref_squeeze %dma_wait3A_31 : memref<1x640x32xf32, #tpu.memory_space<hbm>> -> memref<640x32xf32, #tpu.memory_space<hbm>>
      %dma_wait3A_33 = arith.constant 0 : i32
      %dma_wait3A_34 = tpu.memref_slice %arg5[%arg0, %mul3A_25, %dma_wait3A_33] : memref<2x10240x32xf32, #tpu.memory_space<hbm>> -> memref<1x640x32xf32, #tpu.memory_space<hbm>>
      %dma_wait3A_35 = tpu.memref_squeeze %dma_wait3A_34 : memref<1x640x32xf32, #tpu.memory_space<hbm>> -> memref<640x32xf32, #tpu.memory_space<hbm>>
      tpu.wait_dma2 semaphore(%run_scoped3A : memref<!tpu.dma_semaphore, #tpu.memory_space<semaphore_mem>>) src(%arg12 : memref<640x32xf32, #tpu.memory_space<vmem>>) dst(%dma_wait3A_35 : memref<640x32xf32, #tpu.memory_space<hbm>>)
      tpu.yield
    }) : () -> ()
    return
  }
}

module attributes {stable_mosaic.version = 14 : i64} {
  func.func @_lin1_body(%arg0: i32, %arg1: memref<2048x128xf32, #tpu.memory_space<vmem>>, %arg2: memref<128x32xf32, #tpu.memory_space<vmem>>, %arg3: memref<2x2048x1xf32, #tpu.memory_space<vmem>>, %arg4: memref<2048x32xf32, #tpu.memory_space<vmem>>, %arg5: memref<2048x1xf32, #tpu.memory_space<vmem>>) attributes {dimension_semantics = [#tpu.dimension_semantics<arbitrary>], iteration_bounds = array<i64: 5>, scalar_prefetch = 0 : i64, scratch_operands = 0 : i64, tpu.core_type = #tpu.core_type<tc>, window_params = [{transform_indices = @transform_0, window_bounds = array<i64: 2048, 128>}, {pipeline_mode = #tpu.pipeline_mode<synchronous>, transform_indices = @transform_1, window_bounds = array<i64: 128, 32>}, {transform_indices = @transform_2, window_bounds = array<i64: 2, 2048, 1>}, {transform_indices = @transform_3, window_bounds = array<i64: 2048, 32>}, {transform_indices = @transform_4, window_bounds = array<i64: 2048, 1>}]} {
    %get3A = arith.constant 0 : index
    %get3A_0 = arith.constant 0 : index
    %get3A_1 = arith.constant 0 : index
    %get3A_2 = vector.load %arg3[%get3A, %get3A_0, %get3A_1] : memref<2x2048x1xf32, #tpu.memory_space<vmem>>, vector<1x2048x1xf32>
    %get3A_3 = vector.shape_cast %get3A_2 : vector<1x2048x1xf32> to vector<2048x1xf32>
    %get3A_4 = arith.constant 1 : index
    %get3A_5 = arith.constant 0 : index
    %get3A_6 = arith.constant 0 : index
    %get3A_7 = vector.load %arg3[%get3A_4, %get3A_5, %get3A_6] : memref<2x2048x1xf32, #tpu.memory_space<vmem>>, vector<1x2048x1xf32>
    %get3A_8 = vector.shape_cast %get3A_7 : vector<1x2048x1xf32> to vector<2048x1xf32>
    %add3A = arith.addf %get3A_3, %get3A_8 : vector<2048x1xf32>
    %add3A_9 = arith.constant 1.000000e+00 : f32
    %add3A_10 = vector.broadcast %add3A_9 : f32 to vector<2048x1xf32>
    %add3A_11 = arith.addf %add3A, %add3A_10 : vector<2048x1xf32>
    %rsqrt3A = math.rsqrt %add3A_11 : vector<2048x1xf32>
    %swap3A = arith.constant 0 : index
    %swap3A_12 = arith.constant 0 : index
    %swap3A_13 = vector.load %arg5[%swap3A, %swap3A_12] : memref<2048x1xf32, #tpu.memory_space<vmem>>, vector<2048x1xf32>
    tpu.vector_store %arg5[%swap3A, %swap3A_12], %rsqrt3A {strides = array<i32>} : memref<2048x1xf32, #tpu.memory_space<vmem>>, vector<2048x1xf32>,
    %get3A_14 = arith.constant 0 : index
    %get3A_15 = arith.constant 0 : index
    %get3A_16 = vector.load %arg1[%get3A_14, %get3A_15] : memref<2048x128xf32, #tpu.memory_space<vmem>>, vector<2048x128xf32>
    %get3A_17 = arith.constant 0 : index
    %get3A_18 = arith.constant 0 : index
    %get3A_19 = vector.load %arg2[%get3A_17, %get3A_18] : memref<128x32xf32, #tpu.memory_space<vmem>>, vector<128x32xf32>
    %dot_general3A = arith.constant dense<0.000000e+00> : vector<2048x32xf32>
    %dot_general3A_20 = tpu.matmul %get3A_16, %get3A_19, %dot_general3A {dimension_numbers = #tpu.dot_dimension_numbers<[1], [0], [0], [1], [0, 0, 1, 1], [], []>, transpose_lhs_hint = false} : vector<2048x128xf32>, vector<128x32xf32>, vector<2048x32xf32> -> vector<2048x32xf32>
    %mul3A = vector.broadcast %rsqrt3A : vector<2048x1xf32> to vector<2048x32xf32>
    %mul3A_21 = arith.mulf %dot_general3A_20, %mul3A : vector<2048x32xf32>
    %swap3A_22 = arith.constant 0 : index
    %swap3A_23 = arith.constant 0 : index
    %swap3A_24 = vector.load %arg4[%swap3A_22, %swap3A_23] : memref<2048x32xf32, #tpu.memory_space<vmem>>, vector<2048x32xf32>
    tpu.vector_store %arg4[%swap3A_22, %swap3A_23], %mul3A_21 {strides = array<i32>} : memref<2048x32xf32, #tpu.memory_space<vmem>>, vector<2048x32xf32>,
    return
  }
  func.func @transform_0(%arg0: i32) -> (i32, i32) {
    %c0_i32 = arith.constant 0 : i32
    %c0_i32_0 = arith.constant 0 : i32
    return %arg0, %c0_i32 : i32, i32
  }
  func.func @transform_1(%arg0: i32) -> (i32, i32) {
    %c0_i32 = arith.constant 0 : i32
    %c0_i32_0 = arith.constant 0 : i32
    %c0_i32_1 = arith.constant 0 : i32
    return %c0_i32, %c0_i32_0 : i32, i32
  }
  func.func @transform_2(%arg0: i32) -> (i32, i32, i32) {
    %c0_i32 = arith.constant 0 : i32
    %c0_i32_0 = arith.constant 0 : i32
    %c0_i32_1 = arith.constant 0 : i32
    return %c0_i32, %arg0, %c0_i32_0 : i32, i32, i32
  }
  func.func @transform_3(%arg0: i32) -> (i32, i32) {
    %c0_i32 = arith.constant 0 : i32
    %c0_i32_0 = arith.constant 0 : i32
    return %arg0, %c0_i32 : i32, i32
  }
  func.func @transform_4(%arg0: i32) -> (i32, i32) {
    %c0_i32 = arith.constant 0 : i32
    %c0_i32_0 = arith.constant 0 : i32
    return %arg0, %c0_i32 : i32, i32
  }
}

module attributes {stable_mosaic.version = 14 : i64} {
  func.func @_mid_body(%arg0: i32, %arg1: memref<2x2048x32xf32, #tpu.memory_space<vmem>>, %arg2: memref<2048x32xf32, #tpu.memory_space<vmem>>, %arg3: memref<2048x1xf32, #tpu.memory_space<vmem>>, %arg4: memref<1x32xf32, #tpu.memory_space<vmem>>, %arg5: memref<32x32xf32, #tpu.memory_space<vmem>>, %arg6: memref<2048x32xf32, #tpu.memory_space<vmem>>) attributes {dimension_semantics = [#tpu.dimension_semantics<arbitrary>], iteration_bounds = array<i64: 5>, scalar_prefetch = 0 : i64, scratch_operands = 0 : i64, tpu.core_type = #tpu.core_type<tc>, window_params = [{transform_indices = @transform_0, window_bounds = array<i64: 2, 2048, 32>}, {transform_indices = @transform_1, window_bounds = array<i64: 2048, 32>}, {transform_indices = @transform_2, window_bounds = array<i64: 2048, 1>}, {pipeline_mode = #tpu.pipeline_mode<synchronous>, transform_indices = @transform_3, window_bounds = array<i64: 1, 32>}, {pipeline_mode = #tpu.pipeline_mode<synchronous>, transform_indices = @transform_4, window_bounds = array<i64: 32, 32>}, {transform_indices = @transform_5, window_bounds = array<i64: 2048, 32>}]} {
    %get3A = arith.constant 0 : index
    %get3A_0 = arith.constant 0 : index
    %get3A_1 = vector.load %arg3[%get3A, %get3A_0] : memref<2048x1xf32, #tpu.memory_space<vmem>>, vector<2048x1xf32>
    %get3A_2 = arith.constant 0 : index
    %get3A_3 = arith.constant 0 : index
    %get3A_4 = arith.constant 0 : index
    %get3A_5 = vector.load %arg1[%get3A_2, %get3A_3, %get3A_4] : memref<2x2048x32xf32, #tpu.memory_space<vmem>>, vector<1x2048x32xf32>
    %get3A_6 = vector.shape_cast %get3A_5 : vector<1x2048x32xf32> to vector<2048x32xf32>
    %get3A_7 = arith.constant 1 : index
    %get3A_8 = arith.constant 0 : index
    %get3A_9 = arith.constant 0 : index
    %get3A_10 = vector.load %arg1[%get3A_7, %get3A_8, %get3A_9] : memref<2x2048x32xf32, #tpu.memory_space<vmem>>, vector<1x2048x32xf32>
    %get3A_11 = vector.shape_cast %get3A_10 : vector<1x2048x32xf32> to vector<2048x32xf32>
    %add3A = arith.addf %get3A_6, %get3A_11 : vector<2048x32xf32>
    %get3A_12 = arith.constant 0 : index
    %get3A_13 = arith.constant 0 : index
    %get3A_14 = vector.load %arg2[%get3A_12, %get3A_13] : memref<2048x32xf32, #tpu.memory_space<vmem>>, vector<2048x32xf32>
    %add3A_15 = arith.addf %add3A, %get3A_14 : vector<2048x32xf32>
    %mul3A = vector.broadcast %get3A_1 : vector<2048x1xf32> to vector<2048x32xf32>
    %mul3A_16 = arith.mulf %add3A_15, %mul3A : vector<2048x32xf32>
    %get3A_17 = arith.constant 0 : index
    %get3A_18 = arith.constant 0 : index
    %get3A_19 = vector.load %arg4[%get3A_17, %get3A_18] : memref<1x32xf32, #tpu.memory_space<vmem>>, vector<1x32xf32>
    %add3A_20 = vector.broadcast %get3A_19 : vector<1x32xf32> to vector<2048x32xf32>
    %add3A_21 = arith.addf %mul3A_16, %add3A_20 : vector<2048x32xf32>
    %mul3A_22 = arith.constant 5.000000e-01 : f32
    %mul3A_23 = vector.broadcast %mul3A_22 : f32 to vector<2048x32xf32>
    %mul3A_24 = arith.mulf %mul3A_23, %add3A_21 : vector<2048x32xf32>
    %mul3A_25 = arith.constant 0.707106769 : f32
    %mul3A_26 = vector.broadcast %mul3A_25 : f32 to vector<2048x32xf32>
    %mul3A_27 = arith.mulf %add3A_21, %mul3A_26 : vector<2048x32xf32>
    %erf3A = math.erf %mul3A_27 : vector<2048x32xf32>
    %add3A_28 = arith.constant 1.000000e+00 : f32
    %add3A_29 = vector.broadcast %add3A_28 : f32 to vector<2048x32xf32>
    %add3A_30 = arith.addf %add3A_29, %erf3A : vector<2048x32xf32>
    %mul3A_31 = arith.mulf %mul3A_24, %add3A_30 : vector<2048x32xf32>
    %get3A_32 = arith.constant 0 : index
    %get3A_33 = arith.constant 0 : index
    %get3A_34 = vector.load %arg5[%get3A_32, %get3A_33] : memref<32x32xf32, #tpu.memory_space<vmem>>, vector<32x32xf32>
    %dot_general3A = arith.constant dense<0.000000e+00> : vector<2048x32xf32>
    %dot_general3A_35 = tpu.matmul %mul3A_31, %get3A_34, %dot_general3A {dimension_numbers = #tpu.dot_dimension_numbers<[1], [0], [0], [1], [0, 0, 1, 1], [], []>, transpose_lhs_hint = false} : vector<2048x32xf32>, vector<32x32xf32>, vector<2048x32xf32> -> vector<2048x32xf32>
    %mul3A_36 = vector.broadcast %get3A_1 : vector<2048x1xf32> to vector<2048x32xf32>
    %mul3A_37 = arith.mulf %dot_general3A_35, %mul3A_36 : vector<2048x32xf32>
    %swap3A = arith.constant 0 : index
    %swap3A_38 = arith.constant 0 : index
    %swap3A_39 = vector.load %arg6[%swap3A, %swap3A_38] : memref<2048x32xf32, #tpu.memory_space<vmem>>, vector<2048x32xf32>
    tpu.vector_store %arg6[%swap3A, %swap3A_38], %mul3A_37 {strides = array<i32>} : memref<2048x32xf32, #tpu.memory_space<vmem>>, vector<2048x32xf32>,
    return
  }
  func.func @transform_0(%arg0: i32) -> (i32, i32, i32) {
    %c0_i32 = arith.constant 0 : i32
    %c0_i32_0 = arith.constant 0 : i32
    %c0_i32_1 = arith.constant 0 : i32
    return %c0_i32, %arg0, %c0_i32_0 : i32, i32, i32
  }
  func.func @transform_1(%arg0: i32) -> (i32, i32) {
    %c0_i32 = arith.constant 0 : i32
    %c0_i32_0 = arith.constant 0 : i32
    return %arg0, %c0_i32 : i32, i32
  }
  func.func @transform_2(%arg0: i32) -> (i32, i32) {
    %c0_i32 = arith.constant 0 : i32
    %c0_i32_0 = arith.constant 0 : i32
    return %arg0, %c0_i32 : i32, i32
  }
  func.func @transform_3(%arg0: i32) -> (i32, i32) {
    %c0_i32 = arith.constant 0 : i32
    %c0_i32_0 = arith.constant 0 : i32
    %c0_i32_1 = arith.constant 0 : i32
    return %c0_i32, %c0_i32_0 : i32, i32
  }
  func.func @transform_4(%arg0: i32) -> (i32, i32) {
    %c0_i32 = arith.constant 0 : i32
    %c0_i32_0 = arith.constant 0 : i32
    %c0_i32_1 = arith.constant 0 : i32
    return %c0_i32, %c0_i32_0 : i32, i32
  }
  func.func @transform_5(%arg0: i32) -> (i32, i32) {
    %c0_i32 = arith.constant 0 : i32
    %c0_i32_0 = arith.constant 0 : i32
    return %arg0, %c0_i32 : i32, i32
  }
}

module attributes {stable_mosaic.version = 14 : i64} {
  func.func @_fin_body(%arg0: i32, %arg1: memref<2x2000x32xf32, #tpu.memory_space<vmem>>, %arg2: memref<2000x32xf32, #tpu.memory_space<vmem>>, %arg3: memref<2000x1xf32, #tpu.memory_space<vmem>>, %arg4: memref<1x32xf32, #tpu.memory_space<vmem>>, %arg5: memref<2000x32xf32, #tpu.memory_space<vmem>>) attributes {dimension_semantics = [#tpu.dimension_semantics<arbitrary>], iteration_bounds = array<i64: 5>, scalar_prefetch = 0 : i64, scratch_operands = 0 : i64, tpu.core_type = #tpu.core_type<tc>, window_params = [{transform_indices = @transform_0, window_bounds = array<i64: 2, 2000, 32>}, {transform_indices = @transform_1, window_bounds = array<i64: 2000, 32>}, {transform_indices = @transform_2, window_bounds = array<i64: 2000, 1>}, {pipeline_mode = #tpu.pipeline_mode<synchronous>, transform_indices = @transform_3, window_bounds = array<i64: 1, 32>}, {transform_indices = @transform_4, window_bounds = array<i64: 2000, 32>}]} {
    %get3A = arith.constant 0 : index
    %get3A_0 = arith.constant 0 : index
    %get3A_1 = vector.load %arg3[%get3A, %get3A_0] : memref<2000x1xf32, #tpu.memory_space<vmem>>, vector<2000x1xf32>
    %get3A_2 = arith.constant 0 : index
    %get3A_3 = arith.constant 0 : index
    %get3A_4 = arith.constant 0 : index
    %get3A_5 = vector.load %arg1[%get3A_2, %get3A_3, %get3A_4] : memref<2x2000x32xf32, #tpu.memory_space<vmem>>, vector<1x2000x32xf32>
    %get3A_6 = vector.shape_cast %get3A_5 : vector<1x2000x32xf32> to vector<2000x32xf32>
    %get3A_7 = arith.constant 1 : index
    %get3A_8 = arith.constant 0 : index
    %get3A_9 = arith.constant 0 : index
    %get3A_10 = vector.load %arg1[%get3A_7, %get3A_8, %get3A_9] : memref<2x2000x32xf32, #tpu.memory_space<vmem>>, vector<1x2000x32xf32>
    %get3A_11 = vector.shape_cast %get3A_10 : vector<1x2000x32xf32> to vector<2000x32xf32>
    %add3A = arith.addf %get3A_6, %get3A_11 : vector<2000x32xf32>
    %get3A_12 = arith.constant 0 : index
    %get3A_13 = arith.constant 0 : index
    %get3A_14 = vector.load %arg2[%get3A_12, %get3A_13] : memref<2000x32xf32, #tpu.memory_space<vmem>>, vector<2000x32xf32>
    %add3A_15 = arith.addf %add3A, %get3A_14 : vector<2000x32xf32>
    %mul3A = vector.broadcast %get3A_1 : vector<2000x1xf32> to vector<2000x32xf32>
    %mul3A_16 = arith.mulf %add3A_15, %mul3A : vector<2000x32xf32>
    %get3A_17 = arith.constant 0 : index
    %get3A_18 = arith.constant 0 : index
    %get3A_19 = vector.load %arg4[%get3A_17, %get3A_18] : memref<1x32xf32, #tpu.memory_space<vmem>>, vector<1x32xf32>
    %add3A_20 = vector.broadcast %get3A_19 : vector<1x32xf32> to vector<2000x32xf32>
    %add3A_21 = arith.addf %mul3A_16, %add3A_20 : vector<2000x32xf32>
    %swap3A = arith.constant 0 : index
    %swap3A_22 = arith.constant 0 : index
    %swap3A_23 = vector.load %arg5[%swap3A, %swap3A_22] : memref<2000x32xf32, #tpu.memory_space<vmem>>, vector<2000x32xf32>
    tpu.vector_store %arg5[%swap3A, %swap3A_22], %add3A_21 {strides = array<i32>} : memref<2000x32xf32, #tpu.memory_space<vmem>>, vector<2000x32xf32>,
    return
  }
  func.func @transform_0(%arg0: i32) -> (i32, i32, i32) {
    %c0_i32 = arith.constant 0 : i32
    %c0_i32_0 = arith.constant 0 : i32
    %c0_i32_1 = arith.constant 0 : i32
    return %c0_i32, %arg0, %c0_i32_0 : i32, i32, i32
  }
  func.func @transform_1(%arg0: i32) -> (i32, i32) {
    %c0_i32 = arith.constant 0 : i32
    %c0_i32_0 = arith.constant 0 : i32
    return %arg0, %c0_i32 : i32, i32
  }
  func.func @transform_2(%arg0: i32) -> (i32, i32) {
    %c0_i32 = arith.constant 0 : i32
    %c0_i32_0 = arith.constant 0 : i32
    return %arg0, %c0_i32 : i32, i32
  }
  func.func @transform_3(%arg0: i32) -> (i32, i32) {
    %c0_i32 = arith.constant 0 : i32
    %c0_i32_0 = arith.constant 0 : i32
    %c0_i32_1 = arith.constant 0 : i32
    return %c0_i32, %c0_i32_0 : i32, i32
  }
  func.func @transform_4(%arg0: i32) -> (i32, i32) {
    %c0_i32 = arith.constant 0 : i32
    %c0_i32_0 = arith.constant 0 : i32
    return %arg0, %c0_i32 : i32, i32
  }
}

</mosaic_0001>

<sc_bundles>
// kernel: kernel.11.cloned.1.call-start
scs
__scs_entry_jumppad:
0x0: {  	(pc) =	sbr.rel $0x88, $3  }
0x1: {  	(tag) =	ssettag $0x0;
	lr =	simm.s32 $0x1  }
0x2: {  	[smem:$0x3F9B] =	sst lr;
	_ =	strace $0xD0000000  }
0x3: {  	_ = 	snop  }
0x4: {  	_ = 	snop  }
0x5: {  	_ = 	snop  }
0x6: {  	_ = 	snop  }
0x7: {  	_ = 	snop  }
__scs_overlays_trampoline_lowered:
0x8: {  	[smem:$0x3FAA] =	sst s0  }
0x9: {  	[smem:$0x3FAB] =	sst s1  }
0xa: {  	[smem:$0x3FAC] =	sst s2  }
0xb: {  	[smem:$0x3FAD] =	sst s3  }
0xc: {  	[smem:$0x3FAE] =	sst s4  }
0xd: {  	[smem:$0x3FAF] =	sst s5  }
0xe: {  	[smem:$0x3FB0] =	sst s6  }
0xf: {  	[smem:$0x3FB1] =	sst s7  }
0x10: {  	[smem:$0x3FB2] =	sst s8  }
0x11: {  	[smem:$0x3FB3] =	sst s9;
	s0 =	simm.s32 @!p0 $0x0  }
0x12: {  	s1 =	sld [smem:$0x3F99];
	s0 =	simm.s32 @p0 $0x1  }
0x13: {  	[smem:$0x3FB4] =	sst s0;
	s0 =	simm.s32 @!p1 $0x0  }
0x14: {  	s2 =	sld [smem:$0x3F98];
	s0 =	simm.s32 @p1 $0x1  }
0x15: {  	[smem:$0x3FB5] =	sst s0;
	s0 =	simm.s32 @!p2 $0x0  }
0x16: {  	s3 =	sld [smem:$0x3FDB];
	s0 =	simm.s32 @p2 $0x1  }
0x17: {  	s4 =	simm.s32 $0x1BF5;
	[smem:$0x3FB7] =	sst s0  }
0x18: {  	s0 =	sld [smem:$0x3F9A];
	_ =	swait.ge [sflag:s4], $0x0  }
0x19: {  	s7 =	sld [smem:$0x3F9B]  }
0x1a: {  	s8 =	sadd.s32 $0xFFFFE003, lr  }
0x1b: {  	s9 =	sadd.s32 $0xFFFFFEF7, lr;
	s5 =	simm.s32 $0xFFFFFFFF;
	p2 =	slt.u32 s8, $0xFFFFF086  }
0x1c: {  	p1 =	slt.u32 s9, $0xF7A;
	s5 =	simm.s32 @!p2 $0x0  }
0x1d: {  	s5 =	simm.s32 @p1 $0x1;
	p0 =	seq.s32 s7, s2  }
0x1e: {  	s7 =	smul.u32 @!p0 $0xF7A, s2;
	p2 =	seq.s32 @!p0 s5, $0x0  }
0x1f: {  	s9 =	smul.u32 $0xF7A, s1;
	s8 =	simm.s32 @!p0 $0x1BF5;
	p2 =	por !p2, p0  }
0x20: {  	[sflag:s8] =	ssyncset.s32 @!p0 $0xFFFFF086;
	s6 =	sadd.s32 @!p0 s3, s7;
	s7 =	simm.s32 @!p0 $0x108  }
0x21: {  	s3 =	sadd.s32 s3, s9;
	s6 =	sadd.s32 @!p0 $0x88, s6;
	s7 =	simm.s32 @p2 $0x1082  }
0x22: {  	[simem:s7], [sflag:s8] =	dma.local @!p0 [hbm:s6], $0xF7A  }
0x23: {  	s9 =	sor.u32 $0xD0000000, s2;
	s6 =	simm.s32 $0x108;
	_ =	swait.ge @!p0 [sflag:s8], $0x0  }
0x24: {  	s3 =	sadd.s32 $0x88, s3;
	s6 =	simm.s32 @!p1 $0x1082;
	[sflag:s4] =	ssyncset.s32 $0xFFFFF086  }
0x25: {  	[simem:s6], [sflag:s4] =	dma.local [hbm:s3], $0xF7A  }
0x26: {  	[smem:$0x3F9B] =	sst s1;
	(tag) =	ssettag s2;
	_ =	strace s9  }
0x27: {  	s1 =	sld [smem:$0x3FAB]  }
0x28: {  	s2 =	sld [smem:$0x3FAC]  }
0x29: {  	s4 =	sld [smem:$0x3FAE]  }
0x2a: {  	p0 =	seq.s32 s5, $0x0;
	s5 =	sld [smem:$0x3FAF]  }
0x2b: {  	s6 =	sld [smem:$0x3FB0]  }
0x2c: {  	s7 =	sld [smem:$0x3FB1]  }
0x2d: {  	s3 =	simm.s32 $0x108;
	s8 =	sld [smem:$0x3FB2]  }
0x2e: {  	s3 =	simm.s32 @!p0 $0x1082;
	s9 =	sld [smem:$0x3FB3]  }
0x2f: {  	lr =	sadd.s32 s0, s3;
	s0 =	sld [smem:$0x3FAA]  }
0x30: {  	s3 =	sld [smem:$0x3FAD]  }
0x31: {  	[smem:$0x3FB6] =	sst s10  }
0x32: {  	s10 =	sld [smem:$0x3FB4];
	_ =	sdelay $0x3  }
0x33: {  	p0 =	seq.s32 s10, $0x1;
	s10 =	sld [smem:$0x3FB6];
	_ =	sdelay $0x3  }
0x34: {  	[smem:$0x3FB6] =	sst s10  }
0x35: {  	s10 =	sld [smem:$0x3FB5];
	_ =	sdelay $0x3  }
0x36: {  	p1 =	seq.s32 s10, $0x1;
	s10 =	sld [smem:$0x3FB6];
	_ =	sdelay $0x3  }
0x37: {  	[smem:$0x3FB6] =	sst s10  }
0x38: {  	s10 =	sld [smem:$0x3FB7]  }
0x39: {  	_ = 	snop;
	(pc) =	sbr.ind lr, $3  }
0x3a: {  	_ = 	snop  }
0x3b: {  	_ = 	snop  }
0x3c: {  	p2 =	seq.s32 s10, $0x1;
	s10 =	sld [smem:$0x3FB6]  }
0x3d: {  	_ =	shalt  }
0x3e: {  	_ =	shalt  }
0x3f: {  	_ =	shalt  }
0x40: {  	_ =	shalt  }
0x41: {  	_ =	shalt  }
0x42: {  	_ =	shalt  }
0x43: {  	_ =	shalt  }
0x44: {  	_ =	shalt  }
0x45: {  	_ =	shalt  }
0x46: {  	_ =	shalt  }
0x47: {  	_ =	shalt  }
0x48: {  	_ =	shalt  }
0x49: {  	_ =	shalt  }
0x4a: {  	_ =	shalt  }
0x4b: {  	_ =	shalt  }
0x4c: {  	_ =	shalt  }
0x4d: {  	_ =	shalt  }
0x4e: {  	_ =	shalt  }
0x4f: {  	_ =	shalt  }
0x50: {  	_ =	shalt  }
0x51: {  	_ =	shalt  }
0x52: {  	_ =	shalt  }
0x53: {  	_ =	shalt  }
0x54: {  	_ =	shalt  }
0x55: {  	_ =	shalt  }
0x56: {  	_ =	shalt  }
0x57: {  	_ =	shalt  }
0x58: {  	_ =	shalt  }
0x59: {  	_ =	shalt  }
0x5a: {  	_ =	shalt  }
0x5b: {  	_ =	shalt  }
0x5c: {  	_ =	shalt  }
0x5d: {  	_ =	shalt  }
0x5e: {  	_ =	shalt  }
0x5f: {  	_ =	shalt  }
0x60: {  	_ =	shalt  }
0x61: {  	_ =	shalt  }
0x62: {  	_ =	shalt  }
0x63: {  	_ =	shalt  }
0x64: {  	_ =	shalt  }
0x65: {  	_ =	shalt  }
0x66: {  	_ =	shalt  }
0x67: {  	_ =	shalt  }
0x68: {  	_ =	shalt  }
0x69: {  	_ =	shalt  }
0x6a: {  	_ =	shalt  }
0x6b: {  	_ =	shalt  }
0x6c: {  	_ =	shalt  }
0x6d: {  	_ =	shalt  }
0x6e: {  	_ =	shalt  }
0x6f: {  	_ =	shalt  }
0x70: {  	_ =	shalt  }
0x71: {  	_ =	shalt  }
0x72: {  	_ =	shalt  }
0x73: {  	_ =	shalt  }
0x74: {  	_ =	shalt  }
0x75: {  	_ =	shalt  }
0x76: {  	_ =	shalt  }
0x77: {  	_ =	shalt  }
0x78: {  	_ =	shalt  }
0x79: {  	_ =	shalt  }
0x7a: {  	_ =	shalt  }
0x7b: {  	_ =	shalt  }
0x7c: {  	_ =	shalt  }
0x7d: {  	_ =	shalt  }
0x7e: {  	_ =	shalt  }
0x7f: {  	_ =	shalt  }
0x80: {  	_ =	shalt  }
0x81: {  	_ =	shalt  }
0x82: {  	_ =	shalt  }
0x83: {  	_ =	shalt  }
0x84: {  	_ =	shalt  }
0x85: {  	_ =	shalt  }
0x86: {  	_ =	shalt  }
0x87: {  	_ =	shalt  }
.Lfunc_end0:
.L_simem_size_0:
called_computation.1_lowered:
.L_overlay_start_0:
0x88: {  	s2 =	sld [smem:$0x3FD9]  }
0x89: {  	s3 =	sld [smem:$0x3FFE];
	_ =	sdelay $0x1  }
0x8a: {  	s1 =	srdreg.scid  }
0x8b: {  	s0 =	sand.u32 $0x1, s1  }
0x8c: {  	s16 =	sshll.u32 s0, $0xA;
	s2 =	sadd.s32 s3, s2  }
0x8d: {  	s2 =	sadd.s32 s2, s16  }
0x8e: {  	[smem:$0x3FC2] =	sst s2  }
0x8f: {  	_ = 	snop  }
0x90: {  	(tm) =	ssettm $0x1  }
0x91: {  	s17 =	sld [smem:$0x3FFB];
	_ =	sdelay $0x3  }
0x92: {  	_ =	strace s17  }
0x93: {  	s2 =	sld [smem:$0x3FFC];
	_ =	sdelay $0x3  }
0x94: {  	_ =	strace s2  }
0x95: {  	s2 =	sld [smem:$0x3FFD];
	_ =	sdelay $0x3  }
0x96: {  	_ =	strace s2  }
0x97: {  	_ =	strace $0x8FFFFFFF  }
0x98: {  	s18 =	sld [smem:$0x3FDB];
	_ =	sdelay $0x1  }
0x99: {  	s19 =	simm.s32 $_scs_section_size  }
0x9a: {  	s4 =	simm.s32 $_size__tile_overlayer_lowered;
	s5 =	simm.s32 $_tile_overlayer_lowered  }
0x9b: {  	s22 =	simm.s32 $0x1BFF;
	s21 =	sshll.u32 s5, $0x1;
	s2 =	sadd.s32 s19, s18  }
0x9c: {  	s6 =	simm.s32 $0x0;
	s20 =	sshll.u32 s4, $0x1;
	s4 =	sadd.s32 s21, s2  }
0x9d: {  	[timem:s6], [sflag:s22] =	dma.local [hbm:s4], s20  }
0x9e: {  	_ =	swait.ge [sflag:s22], s20  }
0x9f: {  	s3 =	ssub.s32 $0x0, s20;
	[sflag:s22] =	ssyncset.done $0x0  }
0xa0: {  	[sflag:s22] =	ssyncadd.s32 s3;
	_ =	sdelay $0x1  }
0xa1: {  	s23 =	simm.s32 $0x1B8B  }
0xa2: {  	_ =	swait.ge [sflag:s23], $0x1  }
0xa3: {  	[sflag:s23] =	ssyncset.done $0x0  }
0xa4: {  	s25 =	simm.s32 $0x1B8E;
	s24 =	sld [smem:$0x3FFE];
	[sflag:s23] =	ssyncadd.s32 $0xFFFFFFFF  }
0xa5: {  	s26 =	simm.s32 $execute0_lowered;
	[smem:$0x3FD2] =	sst s25  }
0xa6: {  	s4 =	sshll.u32 s26, $0x1;
	_ =	strace $0x80000049;
	[dreg:$0x1] =	wrdreg $0xFFFFFFFF  }
0xa7: {  	s28 =	simm.s32 $_size_execute0_lowered;
	s2 =	sadd.s32 s2, s4;
	[dreg:$0x0] =	wrdreg $0x0  }
0xa8: {  	s4 =	sshll.u32 s28, $0x1;
	[dreg:$0x2] =	wrdreg s2  }
0xa9: {  	[dreg:$0x3] =	wrdreg s4  }
0xaa: {  	[dreg:$0x4] =	wrdreg $0xC0  }
0xab: {  	_ =	task [dreg:s6], $0x5FFFF  }
0xac: {  	[dreg:$0x1] =	wrdreg $0xFFFFFFFF  }
0xad: {  	[dreg:$0x0] =	wrdreg $0x60  }
0xae: {  	[dreg:$0x2] =	wrdreg s24  }
0xaf: {  	[dreg:$0x3] =	wrdreg $0xE0000  }
0xb0: {  	[dreg:$0x4] =	wrdreg $0x130000  }
0xb1: {  	[dreg:$0x5] =	wrdreg $0x9  }
0xb2: {  	_ =	task.clear_ibuf [dreg:s6], $0x6FFFF;
	_ =	strace $0x90000049  }
0xb3: {  	s29 =	simm.s32 $0x9;
	_ =	strace $0x8000004B  }
0xb4: {  	_ =	swait.ge [sflag:s29], $0x1  }
0xb5: {  	[sflag:s29] =	ssyncadd.s32 $0xFFFFFFFF  }
0xb6: {  	_ =	strace $0x9000004B  }
0xb7: {  	_ =	sfence  }
0xb8: {  	s30 =	sld [smem:$0x0];
	_ =	sdelay $0x2  }
0xb9: {  	s31 =	sshll.u32 s1, $0xD;
	s1 =	sshrl.u32 s1, $0x2  }
0xba: {  	s3 =	sand.u32 $0x4000, s31;
	s1 =	sadd.s32 s1, s30  }
0xbb: {  	s0 =	sor.u32 s3, s0;
	s1 =	sshll.u32 s1, $0x11  }
0xbc: {  	s0 =	sor.u32 s1, s0  }
0xbd: {  	s0 =	sadd.s32 $0x8F2B, s0  }
0xbe: {  	[sflag:s0] =	ssyncadd.remote.s32 $0x1  }
0xbf: {  	_ =	sfence.sel $0xFFFF  }
0xc0: {  	[dreg:$0x0] =	wrdreg $0xFFFFFFFF;
	(pc) =	sbr.abs _section_cstart, $3  }
0xc1: {  	[dreg:$0x1] =	wrdreg $0xFFFFFFFF  }
0xc2: {  	_ =	task.clear_ibuf [dreg:s6], $0x2FFFF;
	_ =	strace $0x9FFFFFFF  }
0xc3: {  	(tm) =	ssettm $0x7FFFFFFF  }
tec
execute0_lowered:
.L_overlay_start_1:
0x0: {  	(tag) =	ssettag $0x1  }
0x1: {  	s0 =	rddreg [dreg:$0x0]  }
0x2: {  	s2 =	rddreg [dreg:$0x1]  }
0x3: {  	s3 =	rddreg [dreg:$0x2]  }
0x4: {  	s4 =	stileid.u32;
	s1 =	srdreg.scid  }
0x5: {  	s5 =	simm.s32 $0x0;
	s11 =	simm.s32 $0x9;
	s12 =	simm.s32 $0x2800  }
0x6: {  	s13 =	simm.s32 $0x9000;
	s16 =	simm.s32 $0x80;
	s17 =	simm.s32 $0x5000  }
0x7: {  	s18 =	simm.s32 $0x6000;
	s19 =	simm.s32 $0x7000;
	s20 =	simm.s32 $0x8000  }
0x8: {  	s21 =	simm.s32 $0x1;
	s22 =	simm.s32 $0x2;
	s23 =	simm.s32 $0x3  }
0x9: {  	s24 =	simm.s32 $0x4;
	s28 =	simm.s32 $0x7;
	s29 =	simm.s32 $0x8  }
0xa: {  	s30 =	simm.s32 $0x0;
	s8 =	smul.u32 $0x5000, s4;
	s1 =	sand.u32 $0x1, s1  }
0xb: {  	[smem:$0x7FF] =	sst s5;
	s31 =	sshll.u32 s4, $0x6;
	s25 =	sshll.u32 s1, $0x4  }
0xc: {  	s6 =	smul.u32 $0x50000, s1;
	_ =	strace $0x8000004A;
	s1 =	ssub.s32 $0x2, s1  }
0xd: {  	s14 =	sor.u32 $0x1C09, s31;
	s7 =	sshrl.u32 s8, $0x3;
	s5 =	sor.u32 s4, s25  }
0xe: {  	s26 =	sshrl.u32 s1, $0x1;
	s15 =	sadd.s32 s8, s3;
	s25 =	simm.s32 $0x5  }
0xf: {  	s5 =	smul.u32 $0x500, s5;
	s6 =	sadd.s32 s8, s6;
	s9 =	sadd.s32 s7, s0  }
0x10: {  	s1 =	ssub.s32 s1, s26;
	s7 =	sadd.s32 s8, s2;
	s15 =	sshrl.u32 s15, $0x3  }
0x11: {  	s26 =	simm.s32 $0x6;
	s6 =	sshrl.u32 s6, $0x3;
	s10 =	sadd.s32 s5, s0  }
0x12: {  	s8 =	sadd.s32 $0x15600, s9;
	s0 =	sadd.s32 s6, s0;
	s5 =	sadd.s32 $0xB600, s10  }
0x13: {  	v0 =	vimm.f32 $0.0e+00;
	s6 =	sadd.s32 $0x1600, s10;
	s9 =	sadd.s32 $0x1F600, s0;
	s10 =	smax.u32 s1, $0x1  }
.LBB2_1:
0x14: {  	s0 =	simm.s32 $0x9080  }
0x15: {  	[tilespmem:s0+$0xFFFFFF80] =	vst v0  }
0x16: {  	[tilespmem:s0+$0x70] =	vst v0  }
0x17: {  	[tilespmem:s0+$0x60] =	vst v0  }
0x18: {  	[tilespmem:s0+$0x50] =	vst v0  }
0x19: {  	[tilespmem:s0+$0x40] =	vst v0  }
0x1a: {  	[tilespmem:s0+$0x30] =	vst v0  }
0x1b: {  	[tilespmem:s0+$0x20] =	vst v0  }
0x1c: {  	[tilespmem:s0+$0x10] =	vst v0  }
0x1d: {  	[tilespmem:s0+$0x0] =	vst v0  }
0x1e: {  	[tilespmem:s0+$0xFFFFFFF0] =	vst v0  }
0x1f: {  	[tilespmem:s0+$0xFFFFFFE0] =	vst v0  }
0x20: {  	[tilespmem:s0+$0xFFFFFFD0] =	vst v0  }
0x21: {  	[tilespmem:s0+$0xFFFFFFC0] =	vst v0  }
0x22: {  	[tilespmem:s0+$0xFFFFFFB0] =	vst v0  }
0x23: {  	s31 =	simm.s32 $0x0;
	[tilespmem:s0+$0xFFFFFFA0] =	vst v0  }
.LBB2_2:
0x24: {  	s31 =	sadd.s32 $0x8, s31;
	[tilespmem:s0+$0xFFFFFF90] =	vst v0;
	s0 =	sadd.s32 $0x100, s0  }
0x25: {  	[tilespmem:s0+$0xFFFFFF80] =	vst v0;
	p0 =	slt.u32 s31, $0x278  }
0x26: {  	[tilespmem:s0+$0x70] =	vst v0  }
0x27: {  	[tilespmem:s0+$0x60] =	vst v0  }
0x28: {  	[tilespmem:s0+$0x50] =	vst v0  }
0x29: {  	[tilespmem:s0+$0x40] =	vst v0  }
0x2a: {  	[tilespmem:s0+$0x30] =	vst v0  }
0x2b: {  	[tilespmem:s0+$0x20] =	vst v0  }
0x2c: {  	[tilespmem:s0+$0x10] =	vst v0  }
0x2d: {  	[tilespmem:s0+$0x0] =	vst v0  }
0x2e: {  	[tilespmem:s0+$0xFFFFFFF0] =	vst v0  }
.Ltmp0:
0x2f: {  	[tilespmem:s0+$0xFFFFFFE0] =	vst v0;
	(pc) =	sbr.rel @p0 .LBB2_2-.Ltmp0, $4  }
0x30: {  	[tilespmem:s0+$0xFFFFFFD0] =	vst v0  }
0x31: {  	[tilespmem:s0+$0xFFFFFFC0] =	vst v0  }
0x32: {  	[tilespmem:s0+$0xFFFFFFB0] =	vst v0  }
0x33: {  	[tilespmem:s0+$0xFFFFFFA0] =	vst v0  }
0x34: {  	[tilespmem:s0+$0xFFFFFF90] =	vst v0;
	s4 =	simm.s32 $0x0  }
0x35: {  	[tilespmem:s4], [sflag:$0x9] =	stream.linear.gather [hbm4b:s5+s4], $0x2800, $0x38;
	[tilespmem:$0x18000] =	vst v63  }
0x36: {  	_ =	swait.ge [sflag:s11], $0x2800  }
0x37: {  	[sflag:s11] =	ssyncset.done $0x0  }
0x38: {  	[sflag:s11] =	ssyncadd.s32 $0xFFFFD800  }
0x39: {  	[tilespmem:s12], [sflag:$0x9] =	stream.linear.gather [hbm4b:s6+s4], $0x2800, $0x38;
	[tilespmem:$0x18000] =	vst v63  }
0x3a: {  	_ =	swait.ge [sflag:s11], $0x2800  }
0x3b: {  	[sflag:s11] =	ssyncset.done $0x0  }
0x3c: {  	[sflag:s11] =	ssyncadd.s32 $0xFFFFD800  }
0x3d: {  	[spmem:s7] =	stream.linear.scatter [tilespmem:s13], [sflag:$0x9], $0x5000, $0x38;
	[tilespmem:$0x18000] =	vst v63  }
0x3e: {  	_ =	swait.ge [sflag:s11], $0x5000  }
0x3f: {  	[sflag:s11] =	ssyncset.done $0x0  }
0x40: {  	[sflag:s11] =	ssyncadd.s32 $0xFFFFB000  }
0x41: {  	[spmem:s15], [sflag:s14] =	dma.local [hbm:s8], $0xA00  }
0x42: {  	_ =	swait.ge [sflag:s11], $0xA00  }
0x43: {  	[sflag:s11] =	ssyncset.done $0x0  }
0x44: {  	[sflag:s11] =	ssyncadd.s32 $0xFFFFF600  }
0x45: {  	s1 =	simm.s32 $0x0;
	[bflag:$0x0] =	sbarrier.arrive $0xFFFF  }
0x46: {  	[tilespmem:s17], [sflag:$0x1] =	stream.indirect.gather [spmem:s3], $0x20, s1, s16, $0xb8;
	[tilespmem:$0x18000] =	vst v63  }
0x47: {  	s4 =	simm.s32 $0x80  }
0x48: {  	[tilespmem:s18], [sflag:$0x2] =	stream.indirect.gather [spmem:s3], $0x20, s4, s16, $0xb8;
	[tilespmem:$0x18000] =	vst v63  }
0x49: {  	s1 =	simm.s32 $0x100  }
0x4a: {  	[tilespmem:s19], [sflag:$0x3] =	stream.indirect.gather [spmem:s3], $0x20, s1, s16, $0xb8;
	[tilespmem:$0x18000] =	vst v63  }
0x4b: {  	s4 =	simm.s32 $0x180  }
0x4c: {  	[tilespmem:s20], [sflag:$0x4] =	stream.indirect.gather [spmem:s3], $0x20, s4, s16, $0xb8;
	[tilespmem:$0x18000] =	vst v63  }
0x4d: {  	_ =	swait.ge [sflag:s21], $0x1000  }
0x4e: {  	[sflag:s21] =	ssyncset.done $0x0  }
0x4f: {  	s1 =	simm.s32 $0x2800;
	[sflag:s21] =	ssyncadd.s32 $0xFFFFF000  }
0x50: {  	[spmem:s2] =	stream.indirect.scatter.add.f32 [tilespmem:s17], [sflag:$0x5], $0x20, s1, s16, $0xb8;
	[tilespmem:$0x18000] =	vst v63  }
0x51: {  	_ =	swait.ge [sflag:s22], $0x1000  }
0x52: {  	[sflag:s22] =	ssyncset.done $0x0  }
0x53: {  	s4 =	simm.s32 $0x2880;
	[sflag:s22] =	ssyncadd.s32 $0xFFFFF000  }
0x54: {  	[spmem:s2] =	stream.indirect.scatter.add.f32 [tilespmem:s18], [sflag:$0x6], $0x20, s4, s16, $0xb8;
	[tilespmem:$0x18000] =	vst v63  }
0x55: {  	_ =	swait.ge [sflag:s23], $0x1000  }
0x56: {  	[sflag:s23] =	ssyncset.done $0x0  }
0x57: {  	s1 =	simm.s32 $0x2900;
	[sflag:s23] =	ssyncadd.s32 $0xFFFFF000  }
0x58: {  	[spmem:s2] =	stream.indirect.scatter.add.f32 [tilespmem:s19], [sflag:$0x7], $0x20, s1, s16, $0xb8;
	[tilespmem:$0x18000] =	vst v63  }
0x59: {  	_ =	swait.ge [sflag:s24], $0x1000  }
0x5a: {  	[sflag:s24] =	ssyncset.done $0x0  }
0x5b: {  	s4 =	simm.s32 $0x2980;
	[sflag:s24] =	ssyncadd.s32 $0xFFFFF000  }
0x5c: {  	[spmem:s2] =	stream.indirect.scatter.add.f32 [tilespmem:s20], [sflag:$0x8], $0x20, s4, s16, $0xb8;
	[tilespmem:$0x18000] =	vst v63  }
0x5d: {  	_ =	swait.ge [sflag:s25], $0x1000  }
0x5e: {  	[sflag:s25] =	ssyncset.done $0x0  }
0x5f: {  	[sflag:s25] =	ssyncadd.s32 $0xFFFFF000  }
0x60: {  	_ =	swait.ge [sflag:s26], $0x1000  }
0x61: {  	[sflag:s26] =	ssyncset.done $0x0  }
0x62: {  	[sflag:s26] =	ssyncadd.s32 $0xFFFFF000  }
0x63: {  	_ =	swait.ge [sflag:s28], $0x1000  }
0x64: {  	[sflag:s28] =	ssyncset.done $0x0  }
0x65: {  	[sflag:s28] =	ssyncadd.s32 $0xFFFFF000  }
0x66: {  	_ =	swait.ge [sflag:s29], $0x1000  }
0x67: {  	s31 =	simm.s32 $0x800;
	s0 =	simm.s32 $0x1000;
	[sflag:s29] =	ssyncset.done $0x0  }
.LBB2_4:
0x68: {  	s4 =	sshra.s32 s31, $0x2  }
0x69: {  	[sflag:s29] =	ssyncadd.s32 $0xFFFFF000;
	s31 =	smov.u32 s0;
	s1 =	sadd.s32 $0x800, s0  }
0x6a: {  	[tilespmem:s17], [sflag:$0x1] =	stream.indirect.gather [spmem:s3], $0x20, s4, s16, $0xb8;
	[tilespmem:$0x18000] =	vst v63  }
0x6b: {  	p0 =	sne.s32 s0, $0x9800;
	s0 =	sadd.s32 $0x80, s4  }
0x6c: {  	[tilespmem:s18], [sflag:$0x2] =	stream.indirect.gather [spmem:s3], $0x20, s0, s16, $0xb8;
	[tilespmem:$0x18000] =	vst v63  }
0x6d: {  	s0 =	sadd.s32 $0x100, s4  }
0x6e: {  	[tilespmem:s19], [sflag:$0x3] =	stream.indirect.gather [spmem:s3], $0x20, s0, s16, $0xb8;
	[tilespmem:$0x18000] =	vst v63  }
0x6f: {  	s0 =	sadd.s32 $0x180, s4  }
0x70: {  	[tilespmem:s20], [sflag:$0x4] =	stream.indirect.gather [spmem:s3], $0x20, s0, s16, $0xb8;
	[tilespmem:$0x18000] =	vst v63  }
0x71: {  	_ =	swait.ge [sflag:s21], $0x1000  }
0x72: {  	[sflag:s21] =	ssyncset.done $0x0  }
0x73: {  	s0 =	sadd.s32 $0x2800, s4;
	[sflag:s21] =	ssyncadd.s32 $0xFFFFF000  }
0x74: {  	[spmem:s2] =	stream.indirect.scatter.add.f32 [tilespmem:s17], [sflag:$0x5], $0x20, s0, s16, $0xb8;
	[tilespmem:$0x18000] =	vst v63  }
0x75: {  	_ =	swait.ge [sflag:s22], $0x1000  }
0x76: {  	[sflag:s22] =	ssyncset.done $0x0  }
0x77: {  	s0 =	sadd.s32 $0x2880, s4;
	[sflag:s22] =	ssyncadd.s32 $0xFFFFF000  }
0x78: {  	[spmem:s2] =	stream.indirect.scatter.add.f32 [tilespmem:s18], [sflag:$0x6], $0x20, s0, s16, $0xb8;
	[tilespmem:$0x18000] =	vst v63  }
0x79: {  	_ =	swait.ge [sflag:s23], $0x1000  }
0x7a: {  	[sflag:s23] =	ssyncset.done $0x0  }
0x7b: {  	s0 =	sadd.s32 $0x2900, s4;
	[sflag:s23] =	ssyncadd.s32 $0xFFFFF000  }
0x7c: {  	[spmem:s2] =	stream.indirect.scatter.add.f32 [tilespmem:s19], [sflag:$0x7], $0x20, s0, s16, $0xb8;
	[tilespmem:$0x18000] =	vst v63  }
0x7d: {  	_ =	swait.ge [sflag:s24], $0x1000  }
0x7e: {  	[sflag:s24] =	ssyncset.done $0x0  }
0x7f: {  	s0 =	sadd.s32 $0x2980, s4;
	[sflag:s24] =	ssyncadd.s32 $0xFFFFF000  }
0x80: {  	[spmem:s2] =	stream.indirect.scatter.add.f32 [tilespmem:s20], [sflag:$0x8], $0x20, s0, s16, $0xb8;
	[tilespmem:$0x18000] =	vst v63  }
0x81: {  	_ =	swait.ge [sflag:s25], $0x1000  }
0x82: {  	[sflag:s25] =	ssyncset.done $0x0  }
0x83: {  	[sflag:s25] =	ssyncadd.s32 $0xFFFFF000  }
0x84: {  	_ =	swait.ge [sflag:s26], $0x1000  }
0x85: {  	[sflag:s26] =	ssyncset.done $0x0  }
0x86: {  	[sflag:s26] =	ssyncadd.s32 $0xFFFFF000  }
.Ltmp1:
0x87: {  	_ =	swait.ge [sflag:s28], $0x1000;
	(pc) =	sbr.rel @p0 .LBB2_4-.Ltmp1, $4  }
0x88: {  	[sflag:s28] =	ssyncset.done $0x0  }
0x89: {  	[sflag:s28] =	ssyncadd.s32 $0xFFFFF000  }
0x8a: {  	_ =	swait.ge [sflag:s29], $0x1000  }
0x8b: {  	s0 =	smov.u32 s1;
	[sflag:s29] =	ssyncset.done $0x0  }
0x8c: {  	s0 =	sshra.s32 s31, $0x2;
	[sflag:s29] =	ssyncadd.s32 $0xFFFFF000  }
0x8d: {  	[tilespmem:s17], [sflag:$0x1] =	stream.indirect.gather [spmem:s3], $0x20, s0, s16, $0xb8;
	[tilespmem:$0x18000] =	vst v63  }
0x8e: {  	s1 =	sadd.s32 $0x80, s0  }
0x8f: {  	[tilespmem:s18], [sflag:$0x2] =	stream.indirect.gather [spmem:s3], $0x20, s1, s16, $0xb8;
	[tilespmem:$0x18000] =	vst v63  }
0x90: {  	s4 =	sadd.s32 $0x100, s0  }
0x91: {  	[tilespmem:s19], [sflag:$0x3] =	stream.indirect.gather [spmem:s3], $0x20, s4, s16, $0xb8;
	[tilespmem:$0x18000] =	vst v63  }
0x92: {  	s31 =	sadd.s32 $0x180, s0  }
0x93: {  	[tilespmem:s20], [sflag:$0x4] =	stream.indirect.gather [spmem:s3], $0x20, s31, s16, $0xb8;
	[tilespmem:$0x18000] =	vst v63  }
0x94: {  	_ =	swait.ge [sflag:s21], $0x1000  }
0x95: {  	[sflag:s21] =	ssyncset.done $0x0  }
0x96: {  	s4 =	sadd.s32 $0x2800, s0;
	[sflag:s21] =	ssyncadd.s32 $0xFFFFF000  }
0x97: {  	[spmem:s2] =	stream.indirect.scatter.add.f32 [tilespmem:s17], [sflag:$0x5], $0x20, s4, s16, $0xb8;
	[tilespmem:$0x18000] =	vst v63  }
0x98: {  	_ =	swait.ge [sflag:s22], $0x1000  }
0x99: {  	[sflag:s22] =	ssyncset.done $0x0  }
0x9a: {  	s31 =	sadd.s32 $0x2880, s0;
	[sflag:s22] =	ssyncadd.s32 $0xFFFFF000  }
0x9b: {  	[spmem:s2] =	stream.indirect.scatter.add.f32 [tilespmem:s18], [sflag:$0x6], $0x20, s31, s16, $0xb8;
	[tilespmem:$0x18000] =	vst v63  }
0x9c: {  	_ =	swait.ge [sflag:s23], $0x1000  }
0x9d: {  	[sflag:s23] =	ssyncset.done $0x0  }
0x9e: {  	s4 =	sadd.s32 $0x2900, s0;
	[sflag:s23] =	ssyncadd.s32 $0xFFFFF000  }
0x9f: {  	[spmem:s2] =	stream.indirect.scatter.add.f32 [tilespmem:s19], [sflag:$0x7], $0x20, s4, s16, $0xb8;
	[tilespmem:$0x18000] =	vst v63  }
0xa0: {  	_ =	swait.ge [sflag:s24], $0x1000  }
0xa1: {  	[sflag:s24] =	ssyncset.done $0x0  }
0xa2: {  	s0 =	sadd.s32 $0x2980, s0;
	[sflag:s24] =	ssyncadd.s32 $0xFFFFF000  }
0xa3: {  	[spmem:s2] =	stream.indirect.scatter.add.f32 [tilespmem:s20], [sflag:$0x8], $0x20, s0, s16, $0xb8;
	[tilespmem:$0x18000] =	vst v63  }
0xa4: {  	_ =	swait.ge [sflag:s25], $0x1000  }
0xa5: {  	[sflag:s25] =	ssyncset.done $0x0  }
0xa6: {  	[sflag:s25] =	ssyncadd.s32 $0xFFFFF000  }
0xa7: {  	_ =	swait.ge [sflag:s26], $0x1000  }
0xa8: {  	[sflag:s26] =	ssyncset.done $0x0  }
0xa9: {  	[sflag:s26] =	ssyncadd.s32 $0xFFFFF000  }
0xaa: {  	_ =	swait.ge [sflag:s28], $0x1000  }
0xab: {  	[sflag:s28] =	ssyncset.done $0x0  }
0xac: {  	[sflag:s28] =	ssyncadd.s32 $0xFFFFF000  }
0xad: {  	_ =	swait.ge [sflag:s29], $0x1000  }
0xae: {  	[sflag:s29] =	ssyncset.done $0x0  }
0xaf: {  	[sflag:s29] =	ssyncadd.s32 $0xFFFFF000  }
0xb0: {  	[bflag:$0x0] =	sbarrier.arrive $0xFFFF  }
0xb1: {  	[tilespmem:s13], [sflag:$0x9] =	stream.linear.gather [spmem:s7], $0x5000, $0x38;
	[tilespmem:$0x18000] =	vst v63  }
0xb2: {  	s30 =	sadd.s32 $0x1, s30;
	_ =	swait.ge [sflag:s11], $0x5000  }
0xb3: {  	p0 =	sne.s32 s30, s10;
	[sflag:s11] =	ssyncset.done $0x0  }
.Ltmp2:
0xb4: {  	s31 =	simm.s32 $0x0;
	[sflag:s11] =	ssyncadd.s32 $0xFFFFB000;
	(pc) =	sbr.rel @p0 .LBB2_1-.Ltmp2, $4  }
0xb5: {  	[hbm4b:s9+s31] =	stream.linear.scatter [tilespmem:s13], [sflag:$0x9], $0x5000, $0x38;
	[tilespmem:$0x18000] =	vst v63  }
0xb6: {  	_ =	swait.ge [sflag:s11], $0x5000  }
0xb7: {  	[sflag:s11] =	ssyncset.done $0x0  }
0xb8: {  	[sflag:s11] =	ssyncadd.s32 $0xFFFFB000  }
0xb9: {  	_ =	sfence.sel $0x180000  }
0xba: {  	[bflag:$0x0] =	sbarrier.arrive $0xFFFF  }
0xbb: {  	_ =	strace $0x9000004A  }
0xbc: {  	s0 =	stileid.u32;
	[bflag:$0x2] =	sbarrier.arrive $0xFFFF  }
0xbd: {  	p0 =	sne.s32 s0, $0x0;
	s0 =	rddreg [dreg:$0x3]  }
0xbe: {  	s0 =	sadd.s32 @!p0 $0x100000, s0  }
0xbf: {  	[sflag:s0] =	ssyncadd.tile.s32 @!p0 $0x1;
	_ =	shalt  }
.Lfunc_end2:
_tile_overlayer_lowered:
.L_overlay_start_2:
0xc0: {  	(tag) =	ssettag $0x2  }
0xc1: {  	s0 =	rddreg [dreg:$0x0];
	s2 =	stileid.u32  }
0xc2: {  	s1 =	rddreg [dreg:$0x1];
	p0 =	sne.s32 s2, $0x0  }
0xc3: {  	s3 =	rddreg [dreg:$0x2];
	[bflag:$0x3] =	sbarrier.arrive $0xFFFF;
	s2 =	simm.s32 @!p0 $0x1C09  }
0xc4: {  	[timem:s3], [sflag:s2] =	dma.local @!p0 [hbm:s0], s1  }
0xc5: {  	s0 =	simm.s32 @!p0 $0x9  }
0xc6: {  	_ =	swait.ge @!p0 [sflag:s0], s1  }
0xc7: {  	s1 =	ssub.s32 @!p0 $0x0, s1;
	[sflag:s0] =	ssyncset.done @!p0 $0x0  }
0xc8: {  	[sflag:s0] =	ssyncadd.s32 @!p0 s1  }
0xc9: {  	[bflag:$0x3] =	sbarrier.arrive $0xFFFF  }
0xca: {  	_ =	shalt  }

// kernel: kernel.14.cloned.1.call-start
scs
__scs_entry_jumppad:
0x0: {  	(pc) =	sbr.rel $0x88, $3  }
0x1: {  	(tag) =	ssettag $0x0;
	lr =	simm.s32 $0x1  }
0x2: {  	[smem:$0x3F9B] =	sst lr;
	_ =	strace $0xD0000000  }
0x3: {  	_ = 	snop  }
0x4: {  	_ = 	snop  }
0x5: {  	_ = 	snop  }
0x6: {  	_ = 	snop  }
0x7: {  	_ = 	snop  }
__scs_overlays_trampoline_lowered:
0x8: {  	[smem:$0x3FAA] =	sst s0  }
0x9: {  	[smem:$0x3FAB] =	sst s1  }
0xa: {  	[smem:$0x3FAC] =	sst s2  }
0xb: {  	[smem:$0x3FAD] =	sst s3  }
0xc: {  	[smem:$0x3FAE] =	sst s4  }
0xd: {  	[smem:$0x3FAF] =	sst s5  }
0xe: {  	[smem:$0x3FB0] =	sst s6  }
0xf: {  	[smem:$0x3FB1] =	sst s7  }
0x10: {  	[smem:$0x3FB2] =	sst s8  }
0x11: {  	[smem:$0x3FB3] =	sst s9;
	s0 =	simm.s32 @!p0 $0x0  }
0x12: {  	s1 =	sld [smem:$0x3F99];
	s0 =	simm.s32 @p0 $0x1  }
0x13: {  	[smem:$0x3FB4] =	sst s0;
	s0 =	simm.s32 @!p1 $0x0  }
0x14: {  	s2 =	sld [smem:$0x3F98];
	s0 =	simm.s32 @p1 $0x1  }
0x15: {  	[smem:$0x3FB5] =	sst s0;
	s0 =	simm.s32 @!p2 $0x0  }
0x16: {  	s3 =	sld [smem:$0x3FDB];
	s0 =	simm.s32 @p2 $0x1  }
0x17: {  	s4 =	simm.s32 $0x1BF5;
	[smem:$0x3FB7] =	sst s0  }
0x18: {  	s0 =	sld [smem:$0x3F9A];
	_ =	swait.ge [sflag:s4], $0x0  }
0x19: {  	s7 =	sld [smem:$0x3F9B]  }
0x1a: {  	s8 =	sadd.s32 $0xFFFFE003, lr  }
0x1b: {  	s9 =	sadd.s32 $0xFFFFFEF7, lr;
	s5 =	simm.s32 $0xFFFFFFFF;
	p2 =	slt.u32 s8, $0xFFFFF086  }
0x1c: {  	p1 =	slt.u32 s9, $0xF7A;
	s5 =	simm.s32 @!p2 $0x0  }
0x1d: {  	s5 =	simm.s32 @p1 $0x1;
	p0 =	seq.s32 s7, s2  }
0x1e: {  	s7 =	smul.u32 @!p0 $0xF7A, s2;
	p2 =	seq.s32 @!p0 s5, $0x0  }
0x1f: {  	s9 =	smul.u32 $0xF7A, s1;
	s8 =	simm.s32 @!p0 $0x1BF5;
	p2 =	por !p2, p0  }
0x20: {  	[sflag:s8] =	ssyncset.s32 @!p0 $0xFFFFF086;
	s6 =	sadd.s32 @!p0 s3, s7;
	s7 =	simm.s32 @!p0 $0x108  }
0x21: {  	s3 =	sadd.s32 s3, s9;
	s6 =	sadd.s32 @!p0 $0x88, s6;
	s7 =	simm.s32 @p2 $0x1082  }
0x22: {  	[simem:s7], [sflag:s8] =	dma.local @!p0 [hbm:s6], $0xF7A  }
0x23: {  	s9 =	sor.u32 $0xD0000000, s2;
	s6 =	simm.s32 $0x108;
	_ =	swait.ge @!p0 [sflag:s8], $0x0  }
0x24: {  	s3 =	sadd.s32 $0x88, s3;
	s6 =	simm.s32 @!p1 $0x1082;
	[sflag:s4] =	ssyncset.s32 $0xFFFFF086  }
0x25: {  	[simem:s6], [sflag:s4] =	dma.local [hbm:s3], $0xF7A  }
0x26: {  	[smem:$0x3F9B] =	sst s1;
	(tag) =	ssettag s2;
	_ =	strace s9  }
0x27: {  	s1 =	sld [smem:$0x3FAB]  }
0x28: {  	s2 =	sld [smem:$0x3FAC]  }
0x29: {  	s4 =	sld [smem:$0x3FAE]  }
0x2a: {  	p0 =	seq.s32 s5, $0x0;
	s5 =	sld [smem:$0x3FAF]  }
0x2b: {  	s6 =	sld [smem:$0x3FB0]  }
0x2c: {  	s7 =	sld [smem:$0x3FB1]  }
0x2d: {  	s3 =	simm.s32 $0x108;
	s8 =	sld [smem:$0x3FB2]  }
0x2e: {  	s3 =	simm.s32 @!p0 $0x1082;
	s9 =	sld [smem:$0x3FB3]  }
0x2f: {  	lr =	sadd.s32 s0, s3;
	s0 =	sld [smem:$0x3FAA]  }
0x30: {  	s3 =	sld [smem:$0x3FAD]  }
0x31: {  	[smem:$0x3FB6] =	sst s10  }
0x32: {  	s10 =	sld [smem:$0x3FB4];
	_ =	sdelay $0x3  }
0x33: {  	p0 =	seq.s32 s10, $0x1;
	s10 =	sld [smem:$0x3FB6];
	_ =	sdelay $0x3  }
0x34: {  	[smem:$0x3FB6] =	sst s10  }
0x35: {  	s10 =	sld [smem:$0x3FB5];
	_ =	sdelay $0x3  }
0x36: {  	p1 =	seq.s32 s10, $0x1;
	s10 =	sld [smem:$0x3FB6];
	_ =	sdelay $0x3  }
0x37: {  	[smem:$0x3FB6] =	sst s10  }
0x38: {  	s10 =	sld [smem:$0x3FB7]  }
0x39: {  	_ = 	snop;
	(pc) =	sbr.ind lr, $3  }
0x3a: {  	_ = 	snop  }
0x3b: {  	_ = 	snop  }
0x3c: {  	p2 =	seq.s32 s10, $0x1;
	s10 =	sld [smem:$0x3FB6]  }
0x3d: {  	_ =	shalt  }
0x3e: {  	_ =	shalt  }
0x3f: {  	_ =	shalt  }
0x40: {  	_ =	shalt  }
0x41: {  	_ =	shalt  }
0x42: {  	_ =	shalt  }
0x43: {  	_ =	shalt  }
0x44: {  	_ =	shalt  }
0x45: {  	_ =	shalt  }
0x46: {  	_ =	shalt  }
0x47: {  	_ =	shalt  }
0x48: {  	_ =	shalt  }
0x49: {  	_ =	shalt  }
0x4a: {  	_ =	shalt  }
0x4b: {  	_ =	shalt  }
0x4c: {  	_ =	shalt  }
0x4d: {  	_ =	shalt  }
0x4e: {  	_ =	shalt  }
0x4f: {  	_ =	shalt  }
0x50: {  	_ =	shalt  }
0x51: {  	_ =	shalt  }
0x52: {  	_ =	shalt  }
0x53: {  	_ =	shalt  }
0x54: {  	_ =	shalt  }
0x55: {  	_ =	shalt  }
0x56: {  	_ =	shalt  }
0x57: {  	_ =	shalt  }
0x58: {  	_ =	shalt  }
0x59: {  	_ =	shalt  }
0x5a: {  	_ =	shalt  }
0x5b: {  	_ =	shalt  }
0x5c: {  	_ =	shalt  }
0x5d: {  	_ =	shalt  }
0x5e: {  	_ =	shalt  }
0x5f: {  	_ =	shalt  }
0x60: {  	_ =	shalt  }
0x61: {  	_ =	shalt  }
0x62: {  	_ =	shalt  }
0x63: {  	_ =	shalt  }
0x64: {  	_ =	shalt  }
0x65: {  	_ =	shalt  }
0x66: {  	_ =	shalt  }
0x67: {  	_ =	shalt  }
0x68: {  	_ =	shalt  }
0x69: {  	_ =	shalt  }
0x6a: {  	_ =	shalt  }
0x6b: {  	_ =	shalt  }
0x6c: {  	_ =	shalt  }
0x6d: {  	_ =	shalt  }
0x6e: {  	_ =	shalt  }
0x6f: {  	_ =	shalt  }
0x70: {  	_ =	shalt  }
0x71: {  	_ =	shalt  }
0x72: {  	_ =	shalt  }
0x73: {  	_ =	shalt  }
0x74: {  	_ =	shalt  }
0x75: {  	_ =	shalt  }
0x76: {  	_ =	shalt  }
0x77: {  	_ =	shalt  }
0x78: {  	_ =	shalt  }
0x79: {  	_ =	shalt  }
0x7a: {  	_ =	shalt  }
0x7b: {  	_ =	shalt  }
0x7c: {  	_ =	shalt  }
0x7d: {  	_ =	shalt  }
0x7e: {  	_ =	shalt  }
0x7f: {  	_ =	shalt  }
0x80: {  	_ =	shalt  }
0x81: {  	_ =	shalt  }
0x82: {  	_ =	shalt  }
0x83: {  	_ =	shalt  }
0x84: {  	_ =	shalt  }
0x85: {  	_ =	shalt  }
0x86: {  	_ =	shalt  }
0x87: {  	_ =	shalt  }
.Lfunc_end0:
.L_simem_size_0:
called_computation.2_lowered:
.L_overlay_start_0:
0x88: {  	s2 =	sld [smem:$0x3FD9]  }
0x89: {  	s3 =	sld [smem:$0x3FFE];
	_ =	sdelay $0x1  }
0x8a: {  	s1 =	srdreg.scid  }
0x8b: {  	s0 =	sand.u32 $0x1, s1  }
0x8c: {  	s16 =	sshll.u32 s0, $0xA;
	s2 =	sadd.s32 s3, s2  }
0x8d: {  	s2 =	sadd.s32 s2, s16  }
0x8e: {  	[smem:$0x3FC2] =	sst s2  }
0x8f: {  	_ = 	snop  }
0x90: {  	(tm) =	ssettm $0x1  }
0x91: {  	s17 =	sld [smem:$0x3FFB];
	_ =	sdelay $0x3  }
0x92: {  	_ =	strace s17  }
0x93: {  	s2 =	sld [smem:$0x3FFC];
	_ =	sdelay $0x3  }
0x94: {  	_ =	strace s2  }
0x95: {  	s2 =	sld [smem:$0x3FFD];
	_ =	sdelay $0x3  }
0x96: {  	_ =	strace s2  }
0x97: {  	_ =	strace $0x8FFFFFFF  }
0x98: {  	s18 =	sld [smem:$0x3FDB];
	_ =	sdelay $0x1  }
0x99: {  	s19 =	simm.s32 $_scs_section_size  }
0x9a: {  	s4 =	simm.s32 $_size__tile_overlayer_lowered;
	s5 =	simm.s32 $_tile_overlayer_lowered  }
0x9b: {  	s22 =	simm.s32 $0x1BFF;
	s21 =	sshll.u32 s5, $0x1;
	s2 =	sadd.s32 s19, s18  }
0x9c: {  	s6 =	simm.s32 $0x0;
	s20 =	sshll.u32 s4, $0x1;
	s4 =	sadd.s32 s21, s2  }
0x9d: {  	[timem:s6], [sflag:s22] =	dma.local [hbm:s4], s20  }
0x9e: {  	_ =	swait.ge [sflag:s22], s20  }
0x9f: {  	s3 =	ssub.s32 $0x0, s20;
	[sflag:s22] =	ssyncset.done $0x0  }
0xa0: {  	[sflag:s22] =	ssyncadd.s32 s3;
	_ =	sdelay $0x1  }
0xa1: {  	s23 =	simm.s32 $0x1B8B  }
0xa2: {  	_ =	swait.ge [sflag:s23], $0x1  }
0xa3: {  	[sflag:s23] =	ssyncset.done $0x0  }
0xa4: {  	s25 =	simm.s32 $0x1B8E;
	s24 =	sld [smem:$0x3FFE];
	[sflag:s23] =	ssyncadd.s32 $0xFFFFFFFF  }
0xa5: {  	s26 =	simm.s32 $execute0_lowered;
	[smem:$0x3FD2] =	sst s25  }
0xa6: {  	s4 =	sshll.u32 s26, $0x1;
	_ =	strace $0x8000004C;
	[dreg:$0x1] =	wrdreg $0xFFFFFFFF  }
0xa7: {  	s28 =	simm.s32 $_size_execute0_lowered;
	s2 =	sadd.s32 s2, s4;
	[dreg:$0x0] =	wrdreg $0x0  }
0xa8: {  	s4 =	sshll.u32 s28, $0x1;
	[dreg:$0x2] =	wrdreg s2  }
0xa9: {  	[dreg:$0x3] =	wrdreg s4  }
0xaa: {  	[dreg:$0x4] =	wrdreg $0xC0  }
0xab: {  	_ =	task [dreg:s6], $0x5FFFF  }
0xac: {  	[dreg:$0x1] =	wrdreg $0xFFFFFFFF  }
0xad: {  	[dreg:$0x0] =	wrdreg $0x60  }
0xae: {  	[dreg:$0x2] =	wrdreg s24  }
0xaf: {  	[dreg:$0x3] =	wrdreg $0xE0000  }
0xb0: {  	[dreg:$0x4] =	wrdreg $0x130000  }
0xb1: {  	[dreg:$0x5] =	wrdreg $0x9  }
0xb2: {  	_ =	task.clear_ibuf [dreg:s6], $0x6FFFF;
	_ =	strace $0x9000004C  }
0xb3: {  	s29 =	simm.s32 $0x9;
	_ =	strace $0x8000004E  }
0xb4: {  	_ =	swait.ge [sflag:s29], $0x1  }
0xb5: {  	[sflag:s29] =	ssyncadd.s32 $0xFFFFFFFF  }
0xb6: {  	_ =	strace $0x9000004E  }
0xb7: {  	_ =	sfence  }
0xb8: {  	s30 =	sld [smem:$0x0];
	_ =	sdelay $0x2  }
0xb9: {  	s31 =	sshll.u32 s1, $0xD;
	s1 =	sshrl.u32 s1, $0x2  }
0xba: {  	s3 =	sand.u32 $0x4000, s31;
	s1 =	sadd.s32 s1, s30  }
0xbb: {  	s0 =	sor.u32 s3, s0;
	s1 =	sshll.u32 s1, $0x11  }
0xbc: {  	s0 =	sor.u32 s1, s0  }
0xbd: {  	s0 =	sadd.s32 $0x8F2B, s0  }
0xbe: {  	[sflag:s0] =	ssyncadd.remote.s32 $0x1  }
0xbf: {  	_ =	sfence.sel $0xFFFF  }
0xc0: {  	[dreg:$0x0] =	wrdreg $0xFFFFFFFF;
	(pc) =	sbr.abs _section_cstart, $3  }
0xc1: {  	[dreg:$0x1] =	wrdreg $0xFFFFFFFF  }
0xc2: {  	_ =	task.clear_ibuf [dreg:s6], $0x2FFFF;
	_ =	strace $0x9FFFFFFF  }
0xc3: {  	(tm) =	ssettm $0x7FFFFFFF  }
tec
execute0_lowered:
.L_overlay_start_1:
0x0: {  	(tag) =	ssettag $0x1  }
0x1: {  	s0 =	rddreg [dreg:$0x0]  }
0x2: {  	s2 =	rddreg [dreg:$0x1]  }
0x3: {  	s3 =	rddreg [dreg:$0x2]  }
0x4: {  	s4 =	stileid.u32;
	s1 =	srdreg.scid  }
0x5: {  	s5 =	simm.s32 $0x0;
	s11 =	simm.s32 $0x9;
	s12 =	simm.s32 $0x2800  }
0x6: {  	s13 =	simm.s32 $0x9000;
	s16 =	simm.s32 $0x80;
	s17 =	simm.s32 $0x5000  }
0x7: {  	s18 =	simm.s32 $0x6000;
	s19 =	simm.s32 $0x7000;
	s20 =	simm.s32 $0x8000  }
0x8: {  	s21 =	simm.s32 $0x1;
	s22 =	simm.s32 $0x2;
	s23 =	simm.s32 $0x3  }
0x9: {  	s24 =	simm.s32 $0x4;
	s28 =	simm.s32 $0x7;
	s29 =	simm.s32 $0x8  }
0xa: {  	s30 =	simm.s32 $0x0;
	s8 =	smul.u32 $0x5000, s4;
	s1 =	sand.u32 $0x1, s1  }
0xb: {  	[smem:$0x7FF] =	sst s5;
	s31 =	sshll.u32 s4, $0x6;
	s25 =	sshll.u32 s1, $0x4  }
0xc: {  	s6 =	smul.u32 $0x50000, s1;
	_ =	strace $0x8000004D;
	s1 =	ssub.s32 $0x2, s1  }
0xd: {  	s14 =	sor.u32 $0x1C09, s31;
	s7 =	sshrl.u32 s8, $0x3;
	s5 =	sor.u32 s4, s25  }
0xe: {  	s26 =	sshrl.u32 s1, $0x1;
	s15 =	sadd.s32 s8, s3;
	s25 =	simm.s32 $0x5  }
0xf: {  	s5 =	smul.u32 $0x500, s5;
	s6 =	sadd.s32 s8, s6;
	s9 =	sadd.s32 s7, s0  }
0x10: {  	s1 =	ssub.s32 s1, s26;
	s7 =	sadd.s32 s8, s2;
	s15 =	sshrl.u32 s15, $0x3  }
0x11: {  	s26 =	simm.s32 $0x6;
	s6 =	sshrl.u32 s6, $0x3;
	s10 =	sadd.s32 s5, s0  }
0x12: {  	s8 =	sadd.s32 $0x15600, s9;
	s0 =	sadd.s32 s6, s0;
	s5 =	sadd.s32 $0xB600, s10  }
0x13: {  	v0 =	vimm.f32 $0.0e+00;
	s6 =	sadd.s32 $0x1600, s10;
	s9 =	sadd.s32 $0x1F600, s0;
	s10 =	smax.u32 s1, $0x1  }
.LBB2_1:
0x14: {  	s0 =	simm.s32 $0x9080  }
0x15: {  	[tilespmem:s0+$0xFFFFFF80] =	vst v0  }
0x16: {  	[tilespmem:s0+$0x70] =	vst v0  }
0x17: {  	[tilespmem:s0+$0x60] =	vst v0  }
0x18: {  	[tilespmem:s0+$0x50] =	vst v0  }
0x19: {  	[tilespmem:s0+$0x40] =	vst v0  }
0x1a: {  	[tilespmem:s0+$0x30] =	vst v0  }
0x1b: {  	[tilespmem:s0+$0x20] =	vst v0  }
0x1c: {  	[tilespmem:s0+$0x10] =	vst v0  }
0x1d: {  	[tilespmem:s0+$0x0] =	vst v0  }
0x1e: {  	[tilespmem:s0+$0xFFFFFFF0] =	vst v0  }
0x1f: {  	[tilespmem:s0+$0xFFFFFFE0] =	vst v0  }
0x20: {  	[tilespmem:s0+$0xFFFFFFD0] =	vst v0  }
0x21: {  	[tilespmem:s0+$0xFFFFFFC0] =	vst v0  }
0x22: {  	[tilespmem:s0+$0xFFFFFFB0] =	vst v0  }
0x23: {  	s31 =	simm.s32 $0x0;
	[tilespmem:s0+$0xFFFFFFA0] =	vst v0  }
.LBB2_2:
0x24: {  	s31 =	sadd.s32 $0x8, s31;
	[tilespmem:s0+$0xFFFFFF90] =	vst v0;
	s0 =	sadd.s32 $0x100, s0  }
0x25: {  	[tilespmem:s0+$0xFFFFFF80] =	vst v0;
	p0 =	slt.u32 s31, $0x278  }
0x26: {  	[tilespmem:s0+$0x70] =	vst v0  }
0x27: {  	[tilespmem:s0+$0x60] =	vst v0  }
0x28: {  	[tilespmem:s0+$0x50] =	vst v0  }
0x29: {  	[tilespmem:s0+$0x40] =	vst v0  }
0x2a: {  	[tilespmem:s0+$0x30] =	vst v0  }
0x2b: {  	[tilespmem:s0+$0x20] =	vst v0  }
0x2c: {  	[tilespmem:s0+$0x10] =	vst v0  }
0x2d: {  	[tilespmem:s0+$0x0] =	vst v0  }
0x2e: {  	[tilespmem:s0+$0xFFFFFFF0] =	vst v0  }
.Ltmp0:
0x2f: {  	[tilespmem:s0+$0xFFFFFFE0] =	vst v0;
	(pc) =	sbr.rel @p0 .LBB2_2-.Ltmp0, $4  }
0x30: {  	[tilespmem:s0+$0xFFFFFFD0] =	vst v0  }
0x31: {  	[tilespmem:s0+$0xFFFFFFC0] =	vst v0  }
0x32: {  	[tilespmem:s0+$0xFFFFFFB0] =	vst v0  }
0x33: {  	[tilespmem:s0+$0xFFFFFFA0] =	vst v0  }
0x34: {  	[tilespmem:s0+$0xFFFFFF90] =	vst v0;
	s4 =	simm.s32 $0x0  }
0x35: {  	[tilespmem:s4], [sflag:$0x9] =	stream.linear.gather [hbm4b:s5+s4], $0x2800, $0x38;
	[tilespmem:$0x18000] =	vst v63  }
0x36: {  	_ =	swait.ge [sflag:s11], $0x2800  }
0x37: {  	[sflag:s11] =	ssyncset.done $0x0  }
0x38: {  	[sflag:s11] =	ssyncadd.s32 $0xFFFFD800  }
0x39: {  	[tilespmem:s12], [sflag:$0x9] =	stream.linear.gather [hbm4b:s6+s4], $0x2800, $0x38;
	[tilespmem:$0x18000] =	vst v63  }
0x3a: {  	_ =	swait.ge [sflag:s11], $0x2800  }
0x3b: {  	[sflag:s11] =	ssyncset.done $0x0  }
0x3c: {  	[sflag:s11] =	ssyncadd.s32 $0xFFFFD800  }
0x3d: {  	[spmem:s7] =	stream.linear.scatter [tilespmem:s13], [sflag:$0x9], $0x5000, $0x38;
	[tilespmem:$0x18000] =	vst v63  }
0x3e: {  	_ =	swait.ge [sflag:s11], $0x5000  }
0x3f: {  	[sflag:s11] =	ssyncset.done $0x0  }
0x40: {  	[sflag:s11] =	ssyncadd.s32 $0xFFFFB000  }
0x41: {  	[spmem:s15], [sflag:s14] =	dma.local [hbm:s8], $0xA00  }
0x42: {  	_ =	swait.ge [sflag:s11], $0xA00  }
0x43: {  	[sflag:s11] =	ssyncset.done $0x0  }
0x44: {  	[sflag:s11] =	ssyncadd.s32 $0xFFFFF600  }
0x45: {  	s1 =	simm.s32 $0x0;
	[bflag:$0x0] =	sbarrier.arrive $0xFFFF  }
0x46: {  	[tilespmem:s17], [sflag:$0x1] =	stream.indirect.gather [spmem:s3], $0x20, s1, s16, $0xb8;
	[tilespmem:$0x18000] =	vst v63  }
0x47: {  	s4 =	simm.s32 $0x80  }
0x48: {  	[tilespmem:s18], [sflag:$0x2] =	stream.indirect.gather [spmem:s3], $0x20, s4, s16, $0xb8;
	[tilespmem:$0x18000] =	vst v63  }
0x49: {  	s1 =	simm.s32 $0x100  }
0x4a: {  	[tilespmem:s19], [sflag:$0x3] =	stream.indirect.gather [spmem:s3], $0x20, s1, s16, $0xb8;
	[tilespmem:$0x18000] =	vst v63  }
0x4b: {  	s4 =	simm.s32 $0x180  }
0x4c: {  	[tilespmem:s20], [sflag:$0x4] =	stream.indirect.gather [spmem:s3], $0x20, s4, s16, $0xb8;
	[tilespmem:$0x18000] =	vst v63  }
0x4d: {  	_ =	swait.ge [sflag:s21], $0x1000  }
0x4e: {  	[sflag:s21] =	ssyncset.done $0x0  }
0x4f: {  	s1 =	simm.s32 $0x2800;
	[sflag:s21] =	ssyncadd.s32 $0xFFFFF000  }
0x50: {  	[spmem:s2] =	stream.indirect.scatter.add.f32 [tilespmem:s17], [sflag:$0x5], $0x20, s1, s16, $0xb8;
	[tilespmem:$0x18000] =	vst v63  }
0x51: {  	_ =	swait.ge [sflag:s22], $0x1000  }
0x52: {  	[sflag:s22] =	ssyncset.done $0x0  }
0x53: {  	s4 =	simm.s32 $0x2880;
	[sflag:s22] =	ssyncadd.s32 $0xFFFFF000  }
0x54: {  	[spmem:s2] =	stream.indirect.scatter.add.f32 [tilespmem:s18], [sflag:$0x6], $0x20, s4, s16, $0xb8;
	[tilespmem:$0x18000] =	vst v63  }
0x55: {  	_ =	swait.ge [sflag:s23], $0x1000  }
0x56: {  	[sflag:s23] =	ssyncset.done $0x0  }
0x57: {  	s1 =	simm.s32 $0x2900;
	[sflag:s23] =	ssyncadd.s32 $0xFFFFF000  }
0x58: {  	[spmem:s2] =	stream.indirect.scatter.add.f32 [tilespmem:s19], [sflag:$0x7], $0x20, s1, s16, $0xb8;
	[tilespmem:$0x18000] =	vst v63  }
0x59: {  	_ =	swait.ge [sflag:s24], $0x1000  }
0x5a: {  	[sflag:s24] =	ssyncset.done $0x0  }
0x5b: {  	s4 =	simm.s32 $0x2980;
	[sflag:s24] =	ssyncadd.s32 $0xFFFFF000  }
0x5c: {  	[spmem:s2] =	stream.indirect.scatter.add.f32 [tilespmem:s20], [sflag:$0x8], $0x20, s4, s16, $0xb8;
	[tilespmem:$0x18000] =	vst v63  }
0x5d: {  	_ =	swait.ge [sflag:s25], $0x1000  }
0x5e: {  	[sflag:s25] =	ssyncset.done $0x0  }
0x5f: {  	[sflag:s25] =	ssyncadd.s32 $0xFFFFF000  }
0x60: {  	_ =	swait.ge [sflag:s26], $0x1000  }
0x61: {  	[sflag:s26] =	ssyncset.done $0x0  }
0x62: {  	[sflag:s26] =	ssyncadd.s32 $0xFFFFF000  }
0x63: {  	_ =	swait.ge [sflag:s28], $0x1000  }
0x64: {  	[sflag:s28] =	ssyncset.done $0x0  }
0x65: {  	[sflag:s28] =	ssyncadd.s32 $0xFFFFF000  }
0x66: {  	_ =	swait.ge [sflag:s29], $0x1000  }
0x67: {  	s31 =	simm.s32 $0x800;
	s0 =	simm.s32 $0x1000;
	[sflag:s29] =	ssyncset.done $0x0  }
.LBB2_4:
0x68: {  	s4 =	sshra.s32 s31, $0x2  }
0x69: {  	[sflag:s29] =	ssyncadd.s32 $0xFFFFF000;
	s31 =	smov.u32 s0;
	s1 =	sadd.s32 $0x800, s0  }
0x6a: {  	[tilespmem:s17], [sflag:$0x1] =	stream.indirect.gather [spmem:s3], $0x20, s4, s16, $0xb8;
	[tilespmem:$0x18000] =	vst v63  }
0x6b: {  	p0 =	sne.s32 s0, $0x9800;
	s0 =	sadd.s32 $0x80, s4  }
0x6c: {  	[tilespmem:s18], [sflag:$0x2] =	stream.indirect.gather [spmem:s3], $0x20, s0, s16, $0xb8;
	[tilespmem:$0x18000] =	vst v63  }
0x6d: {  	s0 =	sadd.s32 $0x100, s4  }
0x6e: {  	[tilespmem:s19], [sflag:$0x3] =	stream.indirect.gather [spmem:s3], $0x20, s0, s16, $0xb8;
	[tilespmem:$0x18000] =	vst v63  }
0x6f: {  	s0 =	sadd.s32 $0x180, s4  }
0x70: {  	[tilespmem:s20], [sflag:$0x4] =	stream.indirect.gather [spmem:s3], $0x20, s0, s16, $0xb8;
	[tilespmem:$0x18000] =	vst v63  }
0x71: {  	_ =	swait.ge [sflag:s21], $0x1000  }
0x72: {  	[sflag:s21] =	ssyncset.done $0x0  }
0x73: {  	s0 =	sadd.s32 $0x2800, s4;
	[sflag:s21] =	ssyncadd.s32 $0xFFFFF000  }
0x74: {  	[spmem:s2] =	stream.indirect.scatter.add.f32 [tilespmem:s17], [sflag:$0x5], $0x20, s0, s16, $0xb8;
	[tilespmem:$0x18000] =	vst v63  }
0x75: {  	_ =	swait.ge [sflag:s22], $0x1000  }
0x76: {  	[sflag:s22] =	ssyncset.done $0x0  }
0x77: {  	s0 =	sadd.s32 $0x2880, s4;
	[sflag:s22] =	ssyncadd.s32 $0xFFFFF000  }
0x78: {  	[spmem:s2] =	stream.indirect.scatter.add.f32 [tilespmem:s18], [sflag:$0x6], $0x20, s0, s16, $0xb8;
	[tilespmem:$0x18000] =	vst v63  }
0x79: {  	_ =	swait.ge [sflag:s23], $0x1000  }
0x7a: {  	[sflag:s23] =	ssyncset.done $0x0  }
0x7b: {  	s0 =	sadd.s32 $0x2900, s4;
	[sflag:s23] =	ssyncadd.s32 $0xFFFFF000  }
0x7c: {  	[spmem:s2] =	stream.indirect.scatter.add.f32 [tilespmem:s19], [sflag:$0x7], $0x20, s0, s16, $0xb8;
	[tilespmem:$0x18000] =	vst v63  }
0x7d: {  	_ =	swait.ge [sflag:s24], $0x1000  }
0x7e: {  	[sflag:s24] =	ssyncset.done $0x0  }
0x7f: {  	s0 =	sadd.s32 $0x2980, s4;
	[sflag:s24] =	ssyncadd.s32 $0xFFFFF000  }
0x80: {  	[spmem:s2] =	stream.indirect.scatter.add.f32 [tilespmem:s20], [sflag:$0x8], $0x20, s0, s16, $0xb8;
	[tilespmem:$0x18000] =	vst v63  }
0x81: {  	_ =	swait.ge [sflag:s25], $0x1000  }
0x82: {  	[sflag:s25] =	ssyncset.done $0x0  }
0x83: {  	[sflag:s25] =	ssyncadd.s32 $0xFFFFF000  }
0x84: {  	_ =	swait.ge [sflag:s26], $0x1000  }
0x85: {  	[sflag:s26] =	ssyncset.done $0x0  }
0x86: {  	[sflag:s26] =	ssyncadd.s32 $0xFFFFF000  }
.Ltmp1:
0x87: {  	_ =	swait.ge [sflag:s28], $0x1000;
	(pc) =	sbr.rel @p0 .LBB2_4-.Ltmp1, $4  }
0x88: {  	[sflag:s28] =	ssyncset.done $0x0  }
0x89: {  	[sflag:s28] =	ssyncadd.s32 $0xFFFFF000  }
0x8a: {  	_ =	swait.ge [sflag:s29], $0x1000  }
0x8b: {  	s0 =	smov.u32 s1;
	[sflag:s29] =	ssyncset.done $0x0  }
0x8c: {  	s0 =	sshra.s32 s31, $0x2;
	[sflag:s29] =	ssyncadd.s32 $0xFFFFF000  }
0x8d: {  	[tilespmem:s17], [sflag:$0x1] =	stream.indirect.gather [spmem:s3], $0x20, s0, s16, $0xb8;
	[tilespmem:$0x18000] =	vst v63  }
0x8e: {  	s1 =	sadd.s32 $0x80, s0  }
0x8f: {  	[tilespmem:s18], [sflag:$0x2] =	stream.indirect.gather [spmem:s3], $0x20, s1, s16, $0xb8;
	[tilespmem:$0x18000] =	vst v63  }
0x90: {  	s4 =	sadd.s32 $0x100, s0  }
0x91: {  	[tilespmem:s19], [sflag:$0x3] =	stream.indirect.gather [spmem:s3], $0x20, s4, s16, $0xb8;
	[tilespmem:$0x18000] =	vst v63  }
0x92: {  	s31 =	sadd.s32 $0x180, s0  }
0x93: {  	[tilespmem:s20], [sflag:$0x4] =	stream.indirect.gather [spmem:s3], $0x20, s31, s16, $0xb8;
	[tilespmem:$0x18000] =	vst v63  }
0x94: {  	_ =	swait.ge [sflag:s21], $0x1000  }
0x95: {  	[sflag:s21] =	ssyncset.done $0x0  }
0x96: {  	s4 =	sadd.s32 $0x2800, s0;
	[sflag:s21] =	ssyncadd.s32 $0xFFFFF000  }
0x97: {  	[spmem:s2] =	stream.indirect.scatter.add.f32 [tilespmem:s17], [sflag:$0x5], $0x20, s4, s16, $0xb8;
	[tilespmem:$0x18000] =	vst v63  }
0x98: {  	_ =	swait.ge [sflag:s22], $0x1000  }
0x99: {  	[sflag:s22] =	ssyncset.done $0x0  }
0x9a: {  	s31 =	sadd.s32 $0x2880, s0;
	[sflag:s22] =	ssyncadd.s32 $0xFFFFF000  }
0x9b: {  	[spmem:s2] =	stream.indirect.scatter.add.f32 [tilespmem:s18], [sflag:$0x6], $0x20, s31, s16, $0xb8;
	[tilespmem:$0x18000] =	vst v63  }
0x9c: {  	_ =	swait.ge [sflag:s23], $0x1000  }
0x9d: {  	[sflag:s23] =	ssyncset.done $0x0  }
0x9e: {  	s4 =	sadd.s32 $0x2900, s0;
	[sflag:s23] =	ssyncadd.s32 $0xFFFFF000  }
0x9f: {  	[spmem:s2] =	stream.indirect.scatter.add.f32 [tilespmem:s19], [sflag:$0x7], $0x20, s4, s16, $0xb8;
	[tilespmem:$0x18000] =	vst v63  }
0xa0: {  	_ =	swait.ge [sflag:s24], $0x1000  }
0xa1: {  	[sflag:s24] =	ssyncset.done $0x0  }
0xa2: {  	s0 =	sadd.s32 $0x2980, s0;
	[sflag:s24] =	ssyncadd.s32 $0xFFFFF000  }
0xa3: {  	[spmem:s2] =	stream.indirect.scatter.add.f32 [tilespmem:s20], [sflag:$0x8], $0x20, s0, s16, $0xb8;
	[tilespmem:$0x18000] =	vst v63  }
0xa4: {  	_ =	swait.ge [sflag:s25], $0x1000  }
0xa5: {  	[sflag:s25] =	ssyncset.done $0x0  }
0xa6: {  	[sflag:s25] =	ssyncadd.s32 $0xFFFFF000  }
0xa7: {  	_ =	swait.ge [sflag:s26], $0x1000  }
0xa8: {  	[sflag:s26] =	ssyncset.done $0x0  }
0xa9: {  	[sflag:s26] =	ssyncadd.s32 $0xFFFFF000  }
0xaa: {  	_ =	swait.ge [sflag:s28], $0x1000  }
0xab: {  	[sflag:s28] =	ssyncset.done $0x0  }
0xac: {  	[sflag:s28] =	ssyncadd.s32 $0xFFFFF000  }
0xad: {  	_ =	swait.ge [sflag:s29], $0x1000  }
0xae: {  	[sflag:s29] =	ssyncset.done $0x0  }
0xaf: {  	[sflag:s29] =	ssyncadd.s32 $0xFFFFF000  }
0xb0: {  	[bflag:$0x0] =	sbarrier.arrive $0xFFFF  }
0xb1: {  	[tilespmem:s13], [sflag:$0x9] =	stream.linear.gather [spmem:s7], $0x5000, $0x38;
	[tilespmem:$0x18000] =	vst v63  }
0xb2: {  	s30 =	sadd.s32 $0x1, s30;
	_ =	swait.ge [sflag:s11], $0x5000  }
0xb3: {  	p0 =	sne.s32 s30, s10;
	[sflag:s11] =	ssyncset.done $0x0  }
.Ltmp2:
0xb4: {  	s31 =	simm.s32 $0x0;
	[sflag:s11] =	ssyncadd.s32 $0xFFFFB000;
	(pc) =	sbr.rel @p0 .LBB2_1-.Ltmp2, $4  }
0xb5: {  	[hbm4b:s9+s31] =	stream.linear.scatter [tilespmem:s13], [sflag:$0x9], $0x5000, $0x38;
	[tilespmem:$0x18000] =	vst v63  }
0xb6: {  	_ =	swait.ge [sflag:s11], $0x5000  }
0xb7: {  	[sflag:s11] =	ssyncset.done $0x0  }
0xb8: {  	[sflag:s11] =	ssyncadd.s32 $0xFFFFB000  }
0xb9: {  	_ =	sfence.sel $0x180000  }
0xba: {  	[bflag:$0x0] =	sbarrier.arrive $0xFFFF  }
0xbb: {  	_ =	strace $0x9000004D  }
0xbc: {  	s0 =	stileid.u32;
	[bflag:$0x2] =	sbarrier.arrive $0xFFFF  }
0xbd: {  	p0 =	sne.s32 s0, $0x0;
	s0 =	rddreg [dreg:$0x3]  }
0xbe: {  	s0 =	sadd.s32 @!p0 $0x100000, s0  }
0xbf: {  	[sflag:s0] =	ssyncadd.tile.s32 @!p0 $0x1;
	_ =	shalt  }
.Lfunc_end2:
_tile_overlayer_lowered:
.L_overlay_start_2:
0xc0: {  	(tag) =	ssettag $0x2  }
0xc1: {  	s0 =	rddreg [dreg:$0x0];
	s2 =	stileid.u32  }
0xc2: {  	s1 =	rddreg [dreg:$0x1];
	p0 =	sne.s32 s2, $0x0  }
0xc3: {  	s3 =	rddreg [dreg:$0x2];
	[bflag:$0x3] =	sbarrier.arrive $0xFFFF;
	s2 =	simm.s32 @!p0 $0x1C09  }
0xc4: {  	[timem:s3], [sflag:s2] =	dma.local @!p0 [hbm:s0], s1  }
0xc5: {  	s0 =	simm.s32 @!p0 $0x9  }
0xc6: {  	_ =	swait.ge @!p0 [sflag:s0], s1  }
0xc7: {  	s1 =	ssub.s32 @!p0 $0x0, s1;
	[sflag:s0] =	ssyncset.done @!p0 $0x0  }
0xc8: {  	[sflag:s0] =	ssyncadd.s32 @!p0 s1  }
0xc9: {  	[bflag:$0x3] =	sbarrier.arrive $0xFFFF  }
0xca: {  	_ =	shalt  }

// kernel: kernel.8.cloned.1.call-start
scs
__scs_entry_jumppad:
0x0: {  	(pc) =	sbr.rel $0x88, $3  }
0x1: {  	(tag) =	ssettag $0x0;
	lr =	simm.s32 $0x1  }
0x2: {  	[smem:$0x3F9B] =	sst lr;
	_ =	strace $0xD0000000  }
0x3: {  	_ = 	snop  }
0x4: {  	_ = 	snop  }
0x5: {  	_ = 	snop  }
0x6: {  	_ = 	snop  }
0x7: {  	_ = 	snop  }
__scs_overlays_trampoline_lowered:
0x8: {  	[smem:$0x3FAA] =	sst s0  }
0x9: {  	[smem:$0x3FAB] =	sst s1  }
0xa: {  	[smem:$0x3FAC] =	sst s2  }
0xb: {  	[smem:$0x3FAD] =	sst s3  }
0xc: {  	[smem:$0x3FAE] =	sst s4  }
0xd: {  	[smem:$0x3FAF] =	sst s5  }
0xe: {  	[smem:$0x3FB0] =	sst s6  }
0xf: {  	[smem:$0x3FB1] =	sst s7  }
0x10: {  	[smem:$0x3FB2] =	sst s8  }
0x11: {  	[smem:$0x3FB3] =	sst s9;
	s0 =	simm.s32 @!p0 $0x0  }
0x12: {  	s1 =	sld [smem:$0x3F99];
	s0 =	simm.s32 @p0 $0x1  }
0x13: {  	[smem:$0x3FB4] =	sst s0;
	s0 =	simm.s32 @!p1 $0x0  }
0x14: {  	s2 =	sld [smem:$0x3F98];
	s0 =	simm.s32 @p1 $0x1  }
0x15: {  	[smem:$0x3FB5] =	sst s0;
	s0 =	simm.s32 @!p2 $0x0  }
0x16: {  	s3 =	sld [smem:$0x3FDB];
	s0 =	simm.s32 @p2 $0x1  }
0x17: {  	s4 =	simm.s32 $0x1BF5;
	[smem:$0x3FB7] =	sst s0  }
0x18: {  	s0 =	sld [smem:$0x3F9A];
	_ =	swait.ge [sflag:s4], $0x0  }
0x19: {  	s7 =	sld [smem:$0x3F9B]  }
0x1a: {  	s8 =	sadd.s32 $0xFFFFE003, lr  }
0x1b: {  	s9 =	sadd.s32 $0xFFFFFEF7, lr;
	s5 =	simm.s32 $0xFFFFFFFF;
	p2 =	slt.u32 s8, $0xFFFFF086  }
0x1c: {  	p1 =	slt.u32 s9, $0xF7A;
	s5 =	simm.s32 @!p2 $0x0  }
0x1d: {  	s5 =	simm.s32 @p1 $0x1;
	p0 =	seq.s32 s7, s2  }
0x1e: {  	s7 =	smul.u32 @!p0 $0xF7A, s2;
	p2 =	seq.s32 @!p0 s5, $0x0  }
0x1f: {  	s9 =	smul.u32 $0xF7A, s1;
	s8 =	simm.s32 @!p0 $0x1BF5;
	p2 =	por !p2, p0  }
0x20: {  	[sflag:s8] =	ssyncset.s32 @!p0 $0xFFFFF086;
	s6 =	sadd.s32 @!p0 s3, s7;
	s7 =	simm.s32 @!p0 $0x108  }
0x21: {  	s3 =	sadd.s32 s3, s9;
	s6 =	sadd.s32 @!p0 $0x88, s6;
	s7 =	simm.s32 @p2 $0x1082  }
0x22: {  	[simem:s7], [sflag:s8] =	dma.local @!p0 [hbm:s6], $0xF7A  }
0x23: {  	s9 =	sor.u32 $0xD0000000, s2;
	s6 =	simm.s32 $0x108;
	_ =	swait.ge @!p0 [sflag:s8], $0x0  }
0x24: {  	s3 =	sadd.s32 $0x88, s3;
	s6 =	simm.s32 @!p1 $0x1082;
	[sflag:s4] =	ssyncset.s32 $0xFFFFF086  }
0x25: {  	[simem:s6], [sflag:s4] =	dma.local [hbm:s3], $0xF7A  }
0x26: {  	[smem:$0x3F9B] =	sst s1;
	(tag) =	ssettag s2;
	_ =	strace s9  }
0x27: {  	s1 =	sld [smem:$0x3FAB]  }
0x28: {  	s2 =	sld [smem:$0x3FAC]  }
0x29: {  	s4 =	sld [smem:$0x3FAE]  }
0x2a: {  	p0 =	seq.s32 s5, $0x0;
	s5 =	sld [smem:$0x3FAF]  }
0x2b: {  	s6 =	sld [smem:$0x3FB0]  }
0x2c: {  	s7 =	sld [smem:$0x3FB1]  }
0x2d: {  	s3 =	simm.s32 $0x108;
	s8 =	sld [smem:$0x3FB2]  }
0x2e: {  	s3 =	simm.s32 @!p0 $0x1082;
	s9 =	sld [smem:$0x3FB3]  }
0x2f: {  	lr =	sadd.s32 s0, s3;
	s0 =	sld [smem:$0x3FAA]  }
0x30: {  	s3 =	sld [smem:$0x3FAD]  }
0x31: {  	[smem:$0x3FB6] =	sst s10  }
0x32: {  	s10 =	sld [smem:$0x3FB4];
	_ =	sdelay $0x3  }
0x33: {  	p0 =	seq.s32 s10, $0x1;
	s10 =	sld [smem:$0x3FB6];
	_ =	sdelay $0x3  }
0x34: {  	[smem:$0x3FB6] =	sst s10  }
0x35: {  	s10 =	sld [smem:$0x3FB5];
	_ =	sdelay $0x3  }
0x36: {  	p1 =	seq.s32 s10, $0x1;
	s10 =	sld [smem:$0x3FB6];
	_ =	sdelay $0x3  }
0x37: {  	[smem:$0x3FB6] =	sst s10  }
0x38: {  	s10 =	sld [smem:$0x3FB7]  }
0x39: {  	_ = 	snop;
	(pc) =	sbr.ind lr, $3  }
0x3a: {  	_ = 	snop  }
0x3b: {  	_ = 	snop  }
0x3c: {  	p2 =	seq.s32 s10, $0x1;
	s10 =	sld [smem:$0x3FB6]  }
0x3d: {  	_ =	shalt  }
0x3e: {  	_ =	shalt  }
0x3f: {  	_ =	shalt  }
0x40: {  	_ =	shalt  }
0x41: {  	_ =	shalt  }
0x42: {  	_ =	shalt  }
0x43: {  	_ =	shalt  }
0x44: {  	_ =	shalt  }
0x45: {  	_ =	shalt  }
0x46: {  	_ =	shalt  }
0x47: {  	_ =	shalt  }
0x48: {  	_ =	shalt  }
0x49: {  	_ =	shalt  }
0x4a: {  	_ =	shalt  }
0x4b: {  	_ =	shalt  }
0x4c: {  	_ =	shalt  }
0x4d: {  	_ =	shalt  }
0x4e: {  	_ =	shalt  }
0x4f: {  	_ =	shalt  }
0x50: {  	_ =	shalt  }
0x51: {  	_ =	shalt  }
0x52: {  	_ =	shalt  }
0x53: {  	_ =	shalt  }
0x54: {  	_ =	shalt  }
0x55: {  	_ =	shalt  }
0x56: {  	_ =	shalt  }
0x57: {  	_ =	shalt  }
0x58: {  	_ =	shalt  }
0x59: {  	_ =	shalt  }
0x5a: {  	_ =	shalt  }
0x5b: {  	_ =	shalt  }
0x5c: {  	_ =	shalt  }
0x5d: {  	_ =	shalt  }
0x5e: {  	_ =	shalt  }
0x5f: {  	_ =	shalt  }
0x60: {  	_ =	shalt  }
0x61: {  	_ =	shalt  }
0x62: {  	_ =	shalt  }
0x63: {  	_ =	shalt  }
0x64: {  	_ =	shalt  }
0x65: {  	_ =	shalt  }
0x66: {  	_ =	shalt  }
0x67: {  	_ =	shalt  }
0x68: {  	_ =	shalt  }
0x69: {  	_ =	shalt  }
0x6a: {  	_ =	shalt  }
0x6b: {  	_ =	shalt  }
0x6c: {  	_ =	shalt  }
0x6d: {  	_ =	shalt  }
0x6e: {  	_ =	shalt  }
0x6f: {  	_ =	shalt  }
0x70: {  	_ =	shalt  }
0x71: {  	_ =	shalt  }
0x72: {  	_ =	shalt  }
0x73: {  	_ =	shalt  }
0x74: {  	_ =	shalt  }
0x75: {  	_ =	shalt  }
0x76: {  	_ =	shalt  }
0x77: {  	_ =	shalt  }
0x78: {  	_ =	shalt  }
0x79: {  	_ =	shalt  }
0x7a: {  	_ =	shalt  }
0x7b: {  	_ =	shalt  }
0x7c: {  	_ =	shalt  }
0x7d: {  	_ =	shalt  }
0x7e: {  	_ =	shalt  }
0x7f: {  	_ =	shalt  }
0x80: {  	_ =	shalt  }
0x81: {  	_ =	shalt  }
0x82: {  	_ =	shalt  }
0x83: {  	_ =	shalt  }
0x84: {  	_ =	shalt  }
0x85: {  	_ =	shalt  }
0x86: {  	_ =	shalt  }
0x87: {  	_ =	shalt  }
.Lfunc_end0:
.L_simem_size_0:
called_computation_lowered:
.L_overlay_start_0:
0x88: {  	s2 =	sld [smem:$0x3FD9]  }
0x89: {  	s3 =	sld [smem:$0x3FFE];
	_ =	sdelay $0x1  }
0x8a: {  	s1 =	srdreg.scid  }
0x8b: {  	s0 =	sand.u32 $0x1, s1  }
0x8c: {  	s17 =	sshll.u32 s0, $0xA;
	s2 =	sadd.s32 s3, s2  }
0x8d: {  	s2 =	sadd.s32 s2, s17  }
0x8e: {  	[smem:$0x3FC2] =	sst s2  }
0x8f: {  	_ = 	snop  }
0x90: {  	s2 =	sld [smem:$0x3FD0];
	(tm) =	ssettm $0x1  }
0x91: {  	s18 =	sld [smem:$0x3FFB];
	_ =	sdelay $0x3  }
0x92: {  	_ =	strace s18  }
0x93: {  	s3 =	sld [smem:$0x3FFC];
	_ =	sdelay $0x3  }
0x94: {  	_ =	strace s3  }
0x95: {  	s3 =	sld [smem:$0x3FFD];
	_ =	sdelay $0x3  }
0x96: {  	_ =	strace s3  }
0x97: {  	_ =	strace $0x8FFFFFFF  }
0x98: {  	s19 =	sld [smem:$0x3FDB];
	_ =	sdelay $0x1  }
0x99: {  	s4 =	simm.s32 $_scs_section_size  }
0x9a: {  	s5 =	simm.s32 $_size__tile_overlayer_lowered;
	s6 =	simm.s32 $_tile_overlayer_lowered  }
0x9b: {  	s22 =	simm.s32 $0x1BFF;
	s21 =	sshll.u32 s6, $0x1;
	s3 =	sadd.s32 s4, s19  }
0x9c: {  	s7 =	simm.s32 $0x0;
	s20 =	sshll.u32 s5, $0x1;
	s5 =	sadd.s32 s21, s3  }
0x9d: {  	[timem:s7], [sflag:s22] =	dma.local [hbm:s5], s20  }
0x9e: {  	_ =	swait.ge [sflag:s22], s20  }
0x9f: {  	s4 =	ssub.s32 $0x0, s20;
	[sflag:s22] =	ssyncset.done $0x0  }
0xa0: {  	[sflag:s22] =	ssyncadd.s32 s4;
	_ =	sdelay $0x1  }
0xa1: {  	s23 =	simm.s32 $0x1B8B  }
0xa2: {  	_ =	swait.ge [sflag:s23], $0x1  }
0xa3: {  	[sflag:s23] =	ssyncset.done $0x0  }
0xa4: {  	s25 =	simm.s32 $0x1B8E;
	s24 =	sld [smem:$0x3FFE];
	[sflag:s23] =	ssyncadd.s32 $0xFFFFFFFF  }
0xa5: {  	s26 =	simm.s32 $execute0_lowered;
	[smem:$0x3FD2] =	sst s25  }
0xa6: {  	s5 =	sshll.u32 s26, $0x1;
	_ =	strace $0x80000046;
	[dreg:$0x1] =	wrdreg $0xFFFFFFFF  }
0xa7: {  	s28 =	simm.s32 $_size_execute0_lowered;
	s3 =	sadd.s32 s3, s5;
	[dreg:$0x0] =	wrdreg $0x0  }
0xa8: {  	s5 =	sshll.u32 s28, $0x1;
	[dreg:$0x2] =	wrdreg s3  }
0xa9: {  	[dreg:$0x3] =	wrdreg s5  }
0xaa: {  	[dreg:$0x4] =	wrdreg $0xC0  }
0xab: {  	_ =	task [dreg:s7], $0x5FFFF  }
0xac: {  	[dreg:$0x1] =	wrdreg $0xFFFFFFFF  }
0xad: {  	[dreg:$0x0] =	wrdreg $0x60  }
0xae: {  	[dreg:$0x2] =	wrdreg s24  }
0xaf: {  	[dreg:$0x3] =	wrdreg s2  }
0xb0: {  	[dreg:$0x4] =	wrdreg $0x2B000  }
0xb1: {  	[dreg:$0x5] =	wrdreg $0x9  }
0xb2: {  	_ =	task.clear_ibuf [dreg:s7], $0x6FFFF;
	_ =	strace $0x90000046  }
0xb3: {  	s29 =	simm.s32 $0x9;
	_ =	strace $0x80000048  }
0xb4: {  	_ =	swait.ge [sflag:s29], $0x1  }
0xb5: {  	[sflag:s29] =	ssyncadd.s32 $0xFFFFFFFF  }
0xb6: {  	_ =	strace $0x90000048  }
0xb7: {  	_ =	sfence  }
0xb8: {  	s30 =	sld [smem:$0x0];
	_ =	sdelay $0x2  }
0xb9: {  	s31 =	sshll.u32 s1, $0xD;
	s1 =	sshrl.u32 s1, $0x2  }
0xba: {  	s3 =	sand.u32 $0x4000, s31;
	s1 =	sadd.s32 s1, s30  }
0xbb: {  	s0 =	sor.u32 s3, s0;
	s1 =	sshll.u32 s1, $0x11  }
0xbc: {  	s0 =	sor.u32 s1, s0  }
0xbd: {  	s0 =	sadd.s32 $0x8F2B, s0  }
0xbe: {  	[sflag:s0] =	ssyncadd.remote.s32 $0x1  }
0xbf: {  	_ =	sfence.sel $0xFFFF  }
0xc0: {  	[dreg:$0x0] =	wrdreg $0xFFFFFFFF;
	(pc) =	sbr.abs _section_cstart, $3  }
0xc1: {  	[dreg:$0x1] =	wrdreg $0xFFFFFFFF  }
0xc2: {  	_ =	task.clear_ibuf [dreg:s7], $0x2FFFF;
	_ =	strace $0x9FFFFFFF  }
0xc3: {  	(tm) =	ssettm $0x7FFFFFFF  }
tec
execute0_lowered:
.L_overlay_start_1:
0x0: {  	(tag) =	ssettag $0x1  }
0x1: {  	s4 =	rddreg [dreg:$0x0]  }
0x2: {  	s6 =	rddreg [dreg:$0x1];
	s0 =	srdreg.scid  }
0x3: {  	s2 =	rddreg [dreg:$0x2];
	s1 =	stileid.u32;
	s3 =	simm.s32 $0x0  }
0x4: {  	s11 =	simm.s32 $0x1;
	s12 =	simm.s32 $0x2;
	s13 =	simm.s32 $0x3  }
0x5: {  	s14 =	simm.s32 $0x4;
	s5 =	sand.u32 $0x1, s0;
	s0 =	rddreg [dreg:$0x3]  }
0x6: {  	s15 =	simm.s32 $0x0;
	s8 =	smul.u32 $0x280, s1;
	[smem:$0x7FF] =	sst s3  }
0x7: {  	s7 =	sshll.u32 s5, $0x4;
	s9 =	smul.u32 $0x2800, s5;
	s5 =	ssub.s32 $0x2, s5  }
0x8: {  	_ =	strace $0x80000047;
	s7 =	sor.u32 s1, s7;
	s10 =	sshrl.u32 s5, $0x1  }
0x9: {  	s7 =	smul.u32 $0x500, s7;
	s9 =	sadd.s32 s8, s9;
	s31 =	ssub.s32 s5, s10  }
0xa: {  	s5 =	sadd.s32 s8, s2;
	s8 =	simm.s32 $0x80;
	s9 =	sshrl.u32 s9, $0x3  }
0xb: {  	s10 =	simm.s32 $0x2880;
	s4 =	sadd.s32 s7, s4;
	s6 =	sadd.s32 s6, s9  }
0xc: {  	v0 =	vimm.f32 $1.000000000e+00;
	v1 =	vimm.f32 $0.0e+00;
	s7 =	smax.u32 s31, $0x1;
	s9 =	simm.s32 $0x5;
	s4 =	sadd.s32 $0x1600, s4  }
.LBB2_1:
0xd: {  	[tilespmem:$0x0] =	vst v0  }
0xe: {  	[tilespmem:$0x10] =	vst v0  }
0xf: {  	[tilespmem:$0x20] =	vst v0  }
0x10: {  	[tilespmem:$0x30] =	vst v0  }
0x11: {  	[tilespmem:$0x40] =	vst v0  }
0x12: {  	[tilespmem:$0x50] =	vst v0  }
0x13: {  	[tilespmem:$0x60] =	vst v0  }
0x14: {  	[tilespmem:$0x70] =	vst v0  }
0x15: {  	[tilespmem:$0x2880] =	vst v1  }
0x16: {  	[tilespmem:$0x2890] =	vst v1  }
0x17: {  	[tilespmem:$0x28A0] =	vst v1  }
0x18: {  	[tilespmem:$0x28B0] =	vst v1  }
0x19: {  	[tilespmem:$0x28C0] =	vst v1  }
0x1a: {  	[tilespmem:$0x28D0] =	vst v1  }
0x1b: {  	[tilespmem:$0x28E0] =	vst v1  }
0x1c: {  	[tilespmem:$0x28F0] =	vst v1  }
0x1d: {  	[tilespmem:$0x2900] =	vst v1  }
0x1e: {  	[tilespmem:$0x2910] =	vst v1  }
0x1f: {  	[tilespmem:$0x2920] =	vst v1  }
0x20: {  	[tilespmem:$0x2930] =	vst v1  }
0x21: {  	[tilespmem:$0x2940] =	vst v1  }
0x22: {  	[tilespmem:$0x2950] =	vst v1  }
0x23: {  	[tilespmem:$0x2960] =	vst v1  }
0x24: {  	[tilespmem:$0x2970] =	vst v1  }
0x25: {  	[tilespmem:$0x2980] =	vst v1  }
0x26: {  	[tilespmem:$0x2990] =	vst v1  }
0x27: {  	[tilespmem:$0x29A0] =	vst v1  }
0x28: {  	[tilespmem:$0x29B0] =	vst v1  }
0x29: {  	[tilespmem:$0x29C0] =	vst v1  }
0x2a: {  	[tilespmem:$0x29D0] =	vst v1  }
0x2b: {  	[tilespmem:$0x29E0] =	vst v1  }
0x2c: {  	[tilespmem:$0x29F0] =	vst v1  }
0x2d: {  	[tilespmem:$0x2A00] =	vst v1  }
0x2e: {  	[tilespmem:$0x2A10] =	vst v1  }
0x2f: {  	[tilespmem:$0x2A20] =	vst v1  }
0x30: {  	[tilespmem:$0x2A30] =	vst v1  }
0x31: {  	[tilespmem:$0x2A40] =	vst v1  }
0x32: {  	[tilespmem:$0x2A50] =	vst v1  }
0x33: {  	[tilespmem:$0x2A60] =	vst v1  }
0x34: {  	[tilespmem:$0x2A70] =	vst v1  }
0x35: {  	[tilespmem:$0x2A80] =	vst v1  }
0x36: {  	[tilespmem:$0x2A90] =	vst v1  }
0x37: {  	[tilespmem:$0x2AA0] =	vst v1  }
0x38: {  	[tilespmem:$0x2AB0] =	vst v1  }
0x39: {  	[tilespmem:$0x2AC0] =	vst v1  }
0x3a: {  	[tilespmem:$0x2AD0] =	vst v1  }
0x3b: {  	[tilespmem:$0x2AE0] =	vst v1  }
0x3c: {  	[tilespmem:$0x2AF0] =	vst v1  }
0x3d: {  	[tilespmem:s8], [sflag:$0x5] =	stream.linear.gather [hbm4b:s4+s3], $0x2800, $0x38;
	[tilespmem:$0x2D80] =	vst v63  }
0x3e: {  	_ =	swait.ge [sflag:s9], $0x2800  }
0x3f: {  	[sflag:s9] =	ssyncset.done $0x0  }
0x40: {  	[sflag:s9] =	ssyncadd.s32 $0xFFFFD800  }
0x41: {  	[spmem:s5] =	stream.linear.scatter [tilespmem:s10], [sflag:$0x5], $0x280, $0x38;
	[tilespmem:$0x2D80] =	vst v63  }
0x42: {  	_ =	swait.ge [sflag:s9], $0x280  }
0x43: {  	[sflag:s9] =	ssyncset.done $0x0  }
0x44: {  	[sflag:s9] =	ssyncadd.s32 $0xFFFFFD80  }
0x45: {  	s16 =	simm.s32 $0x80;
	[bflag:$0x0] =	sbarrier.arrive $0xFFFF  }
0x46: {  	[spmem:s2] =	stream.indirect.scatter.add.f32 [tilespmem:s3], [sflag:$0x1], $0x1, s16, s8, $0xb8;
	[tilespmem:$0x2D80] =	vst v63  }
0x47: {  	s29 =	simm.s32 $0x100  }
0x48: {  	[spmem:s2] =	stream.indirect.scatter.add.f32 [tilespmem:s3], [sflag:$0x2], $0x1, s29, s8, $0xb8;
	[tilespmem:$0x2D80] =	vst v63  }
0x49: {  	s30 =	simm.s32 $0x180  }
0x4a: {  	[spmem:s2] =	stream.indirect.scatter.add.f32 [tilespmem:s3], [sflag:$0x3], $0x1, s30, s8, $0xb8;
	[tilespmem:$0x2D80] =	vst v63  }
0x4b: {  	s31 =	simm.s32 $0x200  }
0x4c: {  	[spmem:s2] =	stream.indirect.scatter.add.f32 [tilespmem:s3], [sflag:$0x4], $0x1, s31, s8, $0xb8;
	[tilespmem:$0x2D80] =	vst v63  }
0x4d: {  	_ =	swait.ge [sflag:s11], $0x80  }
0x4e: {  	[sflag:s11] =	ssyncset.done $0x0  }
0x4f: {  	[sflag:s11] =	ssyncadd.s32 $0xFFFFFF80  }
0x50: {  	_ =	swait.ge [sflag:s12], $0x80  }
0x51: {  	[sflag:s12] =	ssyncset.done $0x0  }
0x52: {  	[sflag:s12] =	ssyncadd.s32 $0xFFFFFF80  }
0x53: {  	_ =	swait.ge [sflag:s13], $0x80  }
0x54: {  	[sflag:s13] =	ssyncset.done $0x0  }
0x55: {  	[sflag:s13] =	ssyncadd.s32 $0xFFFFFF80  }
0x56: {  	_ =	swait.ge [sflag:s14], $0x80  }
0x57: {  	s17 =	simm.s32 $0x1000;
	s16 =	simm.s32 $0x200;
	[sflag:s14] =	ssyncset.done $0x0  }
.LBB2_2:
0x58: {  	s18 =	sadd.s32 $0x80, s16  }
0x59: {  	[sflag:s14] =	ssyncadd.s32 $0xFFFFFF80;
	s19 =	smov.u32 s17;
	s20 =	sadd.s32 $0x800, s17  }
0x5a: {  	[spmem:s2] =	stream.indirect.scatter.add.f32 [tilespmem:s3], [sflag:$0x1], $0x1, s18, s8, $0xb8;
	[tilespmem:$0x2D80] =	vst v63  }
0x5b: {  	p0 =	sne.s32 s17, $0x9800;
	s17 =	sadd.s32 $0x100, s16  }
0x5c: {  	[spmem:s2] =	stream.indirect.scatter.add.f32 [tilespmem:s3], [sflag:$0x2], $0x1, s17, s8, $0xb8;
	[tilespmem:$0x2D80] =	vst v63  }
0x5d: {  	s17 =	sadd.s32 $0x180, s16  }
0x5e: {  	[spmem:s2] =	stream.indirect.scatter.add.f32 [tilespmem:s3], [sflag:$0x3], $0x1, s17, s8, $0xb8;
	[tilespmem:$0x2D80] =	vst v63  }
0x5f: {  	s16 =	sadd.s32 $0x200, s16  }
0x60: {  	[spmem:s2] =	stream.indirect.scatter.add.f32 [tilespmem:s3], [sflag:$0x4], $0x1, s16, s8, $0xb8;
	[tilespmem:$0x2D80] =	vst v63  }
0x61: {  	_ =	swait.ge [sflag:s11], $0x80  }
0x62: {  	[sflag:s11] =	ssyncset.done $0x0  }
0x63: {  	[sflag:s11] =	ssyncadd.s32 $0xFFFFFF80  }
0x64: {  	_ =	swait.ge [sflag:s12], $0x80  }
0x65: {  	[sflag:s12] =	ssyncset.done $0x0  }
0x66: {  	[sflag:s12] =	ssyncadd.s32 $0xFFFFFF80  }
.Ltmp0:
0x67: {  	_ =	swait.ge [sflag:s13], $0x80;
	(pc) =	sbr.rel @p0 .LBB2_2-.Ltmp0, $4  }
0x68: {  	[sflag:s13] =	ssyncset.done $0x0  }
0x69: {  	[sflag:s13] =	ssyncadd.s32 $0xFFFFFF80  }
0x6a: {  	_ =	swait.ge [sflag:s14], $0x80  }
0x6b: {  	s17 =	smov.u32 s20;
	s16 =	sshra.s32 s19, $0x2;
	[sflag:s14] =	ssyncset.done $0x0  }
0x6c: {  	s17 =	sadd.s32 $0x80, s16;
	[sflag:s14] =	ssyncadd.s32 $0xFFFFFF80  }
0x6d: {  	[spmem:s2] =	stream.indirect.scatter.add.f32 [tilespmem:s3], [sflag:$0x1], $0x1, s17, s8, $0xb8;
	[tilespmem:$0x2D80] =	vst v63  }
0x6e: {  	s29 =	sadd.s32 $0x100, s16  }
0x6f: {  	[spmem:s2] =	stream.indirect.scatter.add.f32 [tilespmem:s3], [sflag:$0x2], $0x1, s29, s8, $0xb8;
	[tilespmem:$0x2D80] =	vst v63  }
0x70: {  	s30 =	sadd.s32 $0x180, s16  }
0x71: {  	[spmem:s2] =	stream.indirect.scatter.add.f32 [tilespmem:s3], [sflag:$0x3], $0x1, s30, s8, $0xb8;
	[tilespmem:$0x2D80] =	vst v63  }
0x72: {  	s31 =	sadd.s32 $0x200, s16  }
0x73: {  	[spmem:s2] =	stream.indirect.scatter.add.f32 [tilespmem:s3], [sflag:$0x4], $0x1, s31, s8, $0xb8;
	[tilespmem:$0x2D80] =	vst v63  }
0x74: {  	_ =	swait.ge [sflag:s11], $0x80  }
0x75: {  	[sflag:s11] =	ssyncset.done $0x0  }
0x76: {  	[sflag:s11] =	ssyncadd.s32 $0xFFFFFF80  }
0x77: {  	_ =	swait.ge [sflag:s12], $0x80  }
0x78: {  	[sflag:s12] =	ssyncset.done $0x0  }
0x79: {  	[sflag:s12] =	ssyncadd.s32 $0xFFFFFF80  }
0x7a: {  	_ =	swait.ge [sflag:s13], $0x80  }
0x7b: {  	[sflag:s13] =	ssyncset.done $0x0  }
0x7c: {  	[sflag:s13] =	ssyncadd.s32 $0xFFFFFF80  }
0x7d: {  	_ =	swait.ge [sflag:s14], $0x80  }
0x7e: {  	[sflag:s14] =	ssyncset.done $0x0  }
0x7f: {  	[sflag:s14] =	ssyncadd.s32 $0xFFFFFF80  }
0x80: {  	[bflag:$0x0] =	sbarrier.arrive $0xFFFF  }
0x81: {  	[tilespmem:s10], [sflag:$0x5] =	stream.linear.gather [spmem:s5], $0x280, $0x38;
	[tilespmem:$0x2D80] =	vst v63  }
0x82: {  	s15 =	sadd.s32 $0x1, s15;
	_ =	swait.ge [sflag:s9], $0x280  }
0x83: {  	p0 =	sne.s32 s15, s7;
	[sflag:s9] =	ssyncset.done $0x0  }
.Ltmp1:
0x84: {  	[sflag:s9] =	ssyncadd.s32 $0xFFFFFD80;
	(pc) =	sbr.rel @p0 .LBB2_1-.Ltmp1, $4  }
0x85: {  	[hbm4b:s6+s3] =	stream.linear.scatter [tilespmem:s10], [sflag:$0x5], $0x280, $0x38;
	[tilespmem:$0x2D80] =	vst v63  }
0x86: {  	_ =	swait.ge [sflag:s9], $0x280  }
0x87: {  	[sflag:s9] =	ssyncset.done $0x0  }
0x88: {  	[sflag:s9] =	ssyncadd.s32 $0xFFFFFD80  }
0x89: {  	_ =	sfence.sel $0x180000  }
0x8a: {  	[bflag:$0x0] =	sbarrier.arrive $0xFFFF  }
0x8b: {  	p0 =	sne.s32 s1, $0x0;
	_ =	strace $0x90000047  }
0x8c: {  	s0 =	sadd.s32 @!p0 $0x100000, s0;
	[bflag:$0x2] =	sbarrier.arrive $0xFFFF  }
0x8d: {  	[sflag:s0] =	ssyncadd.tile.s32 @!p0 $0x1;
	_ =	shalt  }
.Lfunc_end2:
_tile_overlayer_lowered:
.L_overlay_start_2:
0x8e: {  	(tag) =	ssettag $0x2  }
0x8f: {  	s0 =	rddreg [dreg:$0x0];
	s2 =	stileid.u32  }
0x90: {  	s1 =	rddreg [dreg:$0x1];
	p0 =	sne.s32 s2, $0x0  }
0x91: {  	s3 =	rddreg [dreg:$0x2];
	[bflag:$0x3] =	sbarrier.arrive $0xFFFF;
	s2 =	simm.s32 @!p0 $0x1C05  }
0x92: {  	[timem:s3], [sflag:s2] =	dma.local @!p0 [hbm:s0], s1  }
0x93: {  	s0 =	simm.s32 @!p0 $0x5  }
0x94: {  	_ =	swait.ge @!p0 [sflag:s0], s1  }
0x95: {  	s1 =	ssub.s32 @!p0 $0x0, s1;
	[sflag:s0] =	ssyncset.done @!p0 $0x0  }
0x96: {  	[sflag:s0] =	ssyncadd.s32 @!p0 s1  }
0x97: {  	[bflag:$0x3] =	sbarrier.arrive $0xFFFF  }
0x98: {  	_ =	shalt  }

</sc_bundles>
